<compile_context>
chip_gen: v7x
topology: tpu7x:2x2x1
jax: 0.10.2.dev20260603
libtpu: 0.0.44.dev20260713+nightly
codegen_flags: <defaults>
</compile_context>

<pallas_src>
import functools

import jax
import jax.numpy as jnp
from jax import lax
from jax.experimental import pallas as pl
from jax.experimental.pallas import tpu as pltpu
from jax.experimental.pallas import tpu_sc as plsc

VOCAB = 1000000
EMBED_DIM = 64
BATCH = 16384
HIST_LEN = 50

_B = BATCH * HIST_LEN
_NW = 32
_BPW = _B // _NW
_CHUNK = 100
_GPS = 4
_STEP = _CHUNK * _GPS
_BSTEP = _STEP // HIST_LEN
_NSTEPS = _BPW // _STEP
_NBUF = 2
_ROWS_PER_W = _BPW // _CHUNK

_mesh = plsc.VectorSubcoreMesh(core_axis_name="c", subcore_axis_name="s")


@functools.partial(
    pl.kernel,
    mesh=_mesh,
    out_type=jax.ShapeDtypeStruct((BATCH, HIST_LEN, EMBED_DIM), jnp.float32),
    scratch_types=[
        pltpu.VMEM((_ROWS_PER_W, _CHUNK), jnp.int32),
        [pltpu.VMEM((_STEP, EMBED_DIM), jnp.float32) for _ in range(_NBUF)],
        [pltpu.SemaphoreType.DMA for _ in range(_NBUF)],
        [pltpu.SemaphoreType.DMA for _ in range(_NBUF)],
    ],
    compiler_params=pltpu.CompilerParams(use_tc_tiling_on_sc=False),
)
def _gather_kernel(table_hbm, idx_hbm, out_hbm, idx_v, rows_bufs, gsems, ssems):
    wid = lax.axis_index("s") * 2 + lax.axis_index("c")
    b_base = wid * (BATCH // _NW)
    pltpu.sync_copy(idx_hbm.at[pl.ds(wid * _ROWS_PER_W, _ROWS_PER_W)], idx_v)

    def fire_gathers(step, p):
        for i in range(_GPS):
            pltpu.async_copy(
                table_hbm.at[idx_v.at[step * _GPS + i]],
                rows_bufs[p].at[pl.ds(i * _CHUNK, _CHUNK)],
                gsems[p],
            )

    def wait_gathers(p):
        pltpu.make_async_copy(
            table_hbm.at[pl.ds(0, _STEP)], rows_bufs[p], gsems[p]).wait()

    def wait_stores(p):
        pltpu.make_async_copy(
            table_hbm.at[pl.ds(0, _STEP)], rows_bufs[p], ssems[p]).wait()

    def fire_stores(step, p):
        b0 = b_base + step * _BSTEP
        for b in range(_BSTEP):
            pltpu.async_copy(
                rows_bufs[p].at[pl.ds(b * HIST_LEN, HIST_LEN)],
                out_hbm.at[b0 + b],
                ssems[p],
            )

    def retire(step, p):
        wait_gathers(p)
        fire_stores(step, p)
        wait_stores(p)

    for p in range(_NBUF):
        fire_gathers(p, p)

    def outer(t, carry):
        for p in range(_NBUF):
            step = t * _NBUF + p
            retire(step, p)
            fire_gathers(step + _NBUF, p)
        return carry

    lax.fori_loop(0, _NSTEPS // _NBUF - 1, outer, 0)

    for p in range(_NBUF):
        retire(_NSTEPS - _NBUF + p, p)


def kernel(item_embeddings, batch_data):
    idx = batch_data.reshape(-1).astype(jnp.int32)
    idx2d = idx.reshape(_B // _CHUNK, _CHUNK)
    return _gather_kernel(item_embeddings, idx2d)

# --- scband reference (transcript-rebuilt; emitter-appended) ---
"""Pipeline reference for scband-graph-item-encoder-6012954214928 (READ-ONLY COPY).

The authoritative reference and input builder live on the scoring server;
editing this copy changes nothing except your own understanding.
"""

import jax, jax.numpy as jnp
import numpy as np

VOCAB = 1000000
EMBED_DIM = 64
BATCH = 16384
HIST_LEN = 50

def setup_inputs(seed: int = 0) -> dict:
    key = jax.random.key(seed)
    k_table, k_idx = jax.random.split(key)
    item_embeddings = jax.random.normal(k_table, (VOCAB, EMBED_DIM), dtype=jnp.float32)
    batch_data = jax.random.randint(k_idx, (BATCH, HIST_LEN), 0, VOCAB, dtype=jnp.int64)
    return {"item_embeddings": item_embeddings, "batch_data": batch_data}

def reference(item_embeddings, batch_data):
    # Faithful translation of: self.item_embeddings[batch_data]
    return jnp.take(item_embeddings, batch_data, axis=0)

if __name__ == "__main__":
    import jax
    _d = setup_inputs()
    print(jax.jit(kernel)(*tuple(_d.values())))

</pallas_src>

<mosaic_0001>
#map = affine_map<(d0, d1) -> (0, 0)>
#map1 = affine_map<(d0, d1) -> (0, 0, 0)>
module attributes {stable_mosaic.version = 14 : i64} {
  func.func @_gather_kernel(%arg0: i32, %arg1: i32, %arg2: memref<1000000x64xf32, #tpu.memory_space<hbm>>, %arg3: memref<8192x100xi32, #tpu.memory_space<hbm>>, %arg4: memref<16384x50x64xf32, #tpu.memory_space<hbm>>, %arg5: memref<256x100xi32, #tpu.memory_space<vmem>>, %arg6: memref<400x64xf32, #tpu.memory_space<vmem>>, %arg7: memref<400x64xf32, #tpu.memory_space<vmem>>, %arg8: memref<!tpu.dma_semaphore, #tpu.memory_space<semaphore_mem>>, %arg9: memref<!tpu.dma_semaphore, #tpu.memory_space<semaphore_mem>>, %arg10: memref<!tpu.dma_semaphore, #tpu.memory_space<semaphore_mem>>, %arg11: memref<!tpu.dma_semaphore, #tpu.memory_space<semaphore_mem>>) attributes {dimension_semantics = [#tpu.dimension_semantics<core_parallel>, #tpu.dimension_semantics<subcore_parallel>], iteration_bounds = array<i64: 2, 16>, scalar_prefetch = 0 : i64, scratch_operands = 7 : i64, tpu.core_type = #tpu.core_type<sc_vector_subcore>, window_params = [{transform_indices = #map}, {transform_indices = #map}, {transform_indices = #map1}]} {
    %mul3A = arith.constant 2 : i32
    %mul3A_0 = arith.muli %arg1, %mul3A : i32
    %add3A = arith.addi %mul3A_0, %arg0 : i32
    %mul3A_1 = arith.constant 512 : i32
    %mul3A_2 = arith.muli %add3A, %mul3A_1 : i32
    %mul3A_3 = arith.constant 256 : i32
    %mul3A_4 = arith.muli %add3A, %mul3A_3 : i32
    "tpu.region"() ({
      %run_scoped3A = tpu.sem_alloc : memref<!tpu.dma_semaphore, #tpu.memory_space<semaphore_mem>>
      %dma_start3A_372 = arith.constant 0 : i32
      %dma_start3A_373 = tpu.memref_slice %arg3[%mul3A_4, %dma_start3A_372] : memref<8192x100xi32, #tpu.memory_space<hbm>> -> memref<256x100xi32, #tpu.memory_space<hbm>>
      %dma_start3A_374 = arith.constant 0 : i32
      %dma_start3A_375 = tpu.memref_slice %arg3[%mul3A_4, %dma_start3A_374] : memref<8192x100xi32, #tpu.memory_space<hbm>> -> memref<256x100xi32, #tpu.memory_space<hbm>>
      tpu.enqueue_dma source(%dma_start3A_375 : memref<256x100xi32, #tpu.memory_space<hbm>>) target(%arg5 : memref<256x100xi32, #tpu.memory_space<vmem>>) target_semaphore(%run_scoped3A : memref<!tpu.dma_semaphore, #tpu.memory_space<semaphore_mem>>)
      %dma_wait3A_376 = arith.constant 0 : i32
      %dma_wait3A_377 = tpu.memref_slice %arg3[%mul3A_4, %dma_wait3A_376] : memref<8192x100xi32, #tpu.memory_space<hbm>> -> memref<256x100xi32, #tpu.memory_space<hbm>>
      %dma_wait3A_378 = arith.constant 0 : i32
      %dma_wait3A_379 = tpu.memref_slice %arg3[%mul3A_4, %dma_wait3A_378] : memref<8192x100xi32, #tpu.memory_space<hbm>> -> memref<256x100xi32, #tpu.memory_space<hbm>>
      tpu.wait_dma2 semaphore(%run_scoped3A : memref<!tpu.dma_semaphore, #tpu.memory_space<semaphore_mem>>) src(%dma_wait3A_379 : memref<256x100xi32, #tpu.memory_space<hbm>>) dst(%arg5 : memref<256x100xi32, #tpu.memory_space<vmem>>)
      tpu.yield
    }) : () -> ()
    %dma_start3A = arith.constant 0 : i32
    %dma_start3A_5 = arith.constant 0 : i32
    %dma_start3A_6 = arith.constant 0 : i32
    %dma_start3A_7 = tpu.memref_slice %arg6[%dma_start3A_5, %dma_start3A_6] : memref<400x64xf32, #tpu.memory_space<vmem>> -> memref<100x64xf32, #tpu.memory_space<vmem>>
    %dma_start3A_8 = arith.constant 0 : i32
    %dma_start3A_9 = tpu.memref_slice %arg5[%dma_start3A, %dma_start3A_8] : memref<256x100xi32, #tpu.memory_space<vmem>> -> memref<1x100xi32, #tpu.memory_space<vmem>>
    %dma_start3A_10 = tpu.memref_squeeze %dma_start3A_9 : memref<1x100xi32, #tpu.memory_space<vmem>> -> memref<100xi32, #tpu.memory_space<vmem>>
    %dma_start3A_11 = arith.constant 0 : i32
    %dma_start3A_12 = arith.constant 0 : i32
    %dma_start3A_13 = tpu.memref_slice %arg2[%dma_start3A_11, %dma_start3A_12] : memref<1000000x64xf32, #tpu.memory_space<hbm>> -> memref<1000000x64xf32, #tpu.memory_space<hbm>>
    tpu.enqueue_indirect_dma source(%dma_start3A_13 : memref<1000000x64xf32, #tpu.memory_space<hbm>>) target(%dma_start3A_7 : memref<100x64xf32, #tpu.memory_space<vmem>>) offsets(%dma_start3A_10 : memref<100xi32, #tpu.memory_space<vmem>>) semaphore(%arg8 : memref<!tpu.dma_semaphore, #tpu.memory_space<semaphore_mem>>)
    %dma_start3A_14 = arith.constant 1 : i32
    %dma_start3A_15 = arith.constant 100 : i32
    %dma_start3A_16 = arith.constant 0 : i32
    %dma_start3A_17 = tpu.memref_slice %arg6[%dma_start3A_15, %dma_start3A_16] : memref<400x64xf32, #tpu.memory_space<vmem>> -> memref<100x64xf32, #tpu.memory_space<vmem>>
    %dma_start3A_18 = arith.constant 0 : i32
    %dma_start3A_19 = tpu.memref_slice %arg5[%dma_start3A_14, %dma_start3A_18] : memref<256x100xi32, #tpu.memory_space<vmem>> -> memref<1x100xi32, #tpu.memory_space<vmem>>
    %dma_start3A_20 = tpu.memref_squeeze %dma_start3A_19 : memref<1x100xi32, #tpu.memory_space<vmem>> -> memref<100xi32, #tpu.memory_space<vmem>>
    %dma_start3A_21 = arith.constant 0 : i32
    %dma_start3A_22 = arith.constant 0 : i32
    %dma_start3A_23 = tpu.memref_slice %arg2[%dma_start3A_21, %dma_start3A_22] : memref<1000000x64xf32, #tpu.memory_space<hbm>> -> memref<1000000x64xf32, #tpu.memory_space<hbm>>
    tpu.enqueue_indirect_dma source(%dma_start3A_23 : memref<1000000x64xf32, #tpu.memory_space<hbm>>) target(%dma_start3A_17 : memref<100x64xf32, #tpu.memory_space<vmem>>) offsets(%dma_start3A_20 : memref<100xi32, #tpu.memory_space<vmem>>) semaphore(%arg8 : memref<!tpu.dma_semaphore, #tpu.memory_space<semaphore_mem>>)
    %dma_start3A_24 = arith.constant 2 : i32
    %dma_start3A_25 = arith.constant 200 : i32
    %dma_start3A_26 = arith.constant 0 : i32
    %dma_start3A_27 = tpu.memref_slice %arg6[%dma_start3A_25, %dma_start3A_26] : memref<400x64xf32, #tpu.memory_space<vmem>> -> memref<100x64xf32, #tpu.memory_space<vmem>>
    %dma_start3A_28 = arith.constant 0 : i32
    %dma_start3A_29 = tpu.memref_slice %arg5[%dma_start3A_24, %dma_start3A_28] : memref<256x100xi32, #tpu.memory_space<vmem>> -> memref<1x100xi32, #tpu.memory_space<vmem>>
    %dma_start3A_30 = tpu.memref_squeeze %dma_start3A_29 : memref<1x100xi32, #tpu.memory_space<vmem>> -> memref<100xi32, #tpu.memory_space<vmem>>
    %dma_start3A_31 = arith.constant 0 : i32
    %dma_start3A_32 = arith.constant 0 : i32
    %dma_start3A_33 = tpu.memref_slice %arg2[%dma_start3A_31, %dma_start3A_32] : memref<1000000x64xf32, #tpu.memory_space<hbm>> -> memref<1000000x64xf32, #tpu.memory_space<hbm>>
    tpu.enqueue_indirect_dma source(%dma_start3A_33 : memref<1000000x64xf32, #tpu.memory_space<hbm>>) target(%dma_start3A_27 : memref<100x64xf32, #tpu.memory_space<vmem>>) offsets(%dma_start3A_30 : memref<100xi32, #tpu.memory_space<vmem>>) semaphore(%arg8 : memref<!tpu.dma_semaphore, #tpu.memory_space<semaphore_mem>>)
    %dma_start3A_34 = arith.constant 3 : i32
    %dma_start3A_35 = arith.constant 300 : i32
    %dma_start3A_36 = arith.constant 0 : i32
    %dma_start3A_37 = tpu.memref_slice %arg6[%dma_start3A_35, %dma_start3A_36] : memref<400x64xf32, #tpu.memory_space<vmem>> -> memref<100x64xf32, #tpu.memory_space<vmem>>
    %dma_start3A_38 = arith.constant 0 : i32
    %dma_start3A_39 = tpu.memref_slice %arg5[%dma_start3A_34, %dma_start3A_38] : memref<256x100xi32, #tpu.memory_space<vmem>> -> memref<1x100xi32, #tpu.memory_space<vmem>>
    %dma_start3A_40 = tpu.memref_squeeze %dma_start3A_39 : memref<1x100xi32, #tpu.memory_space<vmem>> -> memref<100xi32, #tpu.memory_space<vmem>>
    %dma_start3A_41 = arith.constant 0 : i32
    %dma_start3A_42 = arith.constant 0 : i32
    %dma_start3A_43 = tpu.memref_slice %arg2[%dma_start3A_41, %dma_start3A_42] : memref<1000000x64xf32, #tpu.memory_space<hbm>> -> memref<1000000x64xf32, #tpu.memory_space<hbm>>
    tpu.enqueue_indirect_dma source(%dma_start3A_43 : memref<1000000x64xf32, #tpu.memory_space<hbm>>) target(%dma_start3A_37 : memref<100x64xf32, #tpu.memory_space<vmem>>) offsets(%dma_start3A_40 : memref<100xi32, #tpu.memory_space<vmem>>) semaphore(%arg8 : memref<!tpu.dma_semaphore, #tpu.memory_space<semaphore_mem>>)
    %dma_start3A_44 = arith.constant 4 : i32
    %dma_start3A_45 = arith.constant 0 : i32
    %dma_start3A_46 = arith.constant 0 : i32
    %dma_start3A_47 = tpu.memref_slice %arg7[%dma_start3A_45, %dma_start3A_46] : memref<400x64xf32, #tpu.memory_space<vmem>> -> memref<100x64xf32, #tpu.memory_space<vmem>>
    %dma_start3A_48 = arith.constant 0 : i32
    %dma_start3A_49 = tpu.memref_slice %arg5[%dma_start3A_44, %dma_start3A_48] : memref<256x100xi32, #tpu.memory_space<vmem>> -> memref<1x100xi32, #tpu.memory_space<vmem>>
    %dma_start3A_50 = tpu.memref_squeeze %dma_start3A_49 : memref<1x100xi32, #tpu.memory_space<vmem>> -> memref<100xi32, #tpu.memory_space<vmem>>
    %dma_start3A_51 = arith.constant 0 : i32
    %dma_start3A_52 = arith.constant 0 : i32
    %dma_start3A_53 = tpu.memref_slice %arg2[%dma_start3A_51, %dma_start3A_52] : memref<1000000x64xf32, #tpu.memory_space<hbm>> -> memref<1000000x64xf32, #tpu.memory_space<hbm>>
    tpu.enqueue_indirect_dma source(%dma_start3A_53 : memref<1000000x64xf32, #tpu.memory_space<hbm>>) target(%dma_start3A_47 : memref<100x64xf32, #tpu.memory_space<vmem>>) offsets(%dma_start3A_50 : memref<100xi32, #tpu.memory_space<vmem>>) semaphore(%arg9 : memref<!tpu.dma_semaphore, #tpu.memory_space<semaphore_mem>>)
    %dma_start3A_54 = arith.constant 5 : i32
    %dma_start3A_55 = arith.constant 100 : i32
    %dma_start3A_56 = arith.constant 0 : i32
    %dma_start3A_57 = tpu.memref_slice %arg7[%dma_start3A_55, %dma_start3A_56] : memref<400x64xf32, #tpu.memory_space<vmem>> -> memref<100x64xf32, #tpu.memory_space<vmem>>
    %dma_start3A_58 = arith.constant 0 : i32
    %dma_start3A_59 = tpu.memref_slice %arg5[%dma_start3A_54, %dma_start3A_58] : memref<256x100xi32, #tpu.memory_space<vmem>> -> memref<1x100xi32, #tpu.memory_space<vmem>>
    %dma_start3A_60 = tpu.memref_squeeze %dma_start3A_59 : memref<1x100xi32, #tpu.memory_space<vmem>> -> memref<100xi32, #tpu.memory_space<vmem>>
    %dma_start3A_61 = arith.constant 0 : i32
    %dma_start3A_62 = arith.constant 0 : i32
    %dma_start3A_63 = tpu.memref_slice %arg2[%dma_start3A_61, %dma_start3A_62] : memref<1000000x64xf32, #tpu.memory_space<hbm>> -> memref<1000000x64xf32, #tpu.memory_space<hbm>>
    tpu.enqueue_indirect_dma source(%dma_start3A_63 : memref<1000000x64xf32, #tpu.memory_space<hbm>>) target(%dma_start3A_57 : memref<100x64xf32, #tpu.memory_space<vmem>>) offsets(%dma_start3A_60 : memref<100xi32, #tpu.memory_space<vmem>>) semaphore(%arg9 : memref<!tpu.dma_semaphore, #tpu.memory_space<semaphore_mem>>)
    %dma_start3A_64 = arith.constant 6 : i32
    %dma_start3A_65 = arith.constant 200 : i32
    %dma_start3A_66 = arith.constant 0 : i32
    %dma_start3A_67 = tpu.memref_slice %arg7[%dma_start3A_65, %dma_start3A_66] : memref<400x64xf32, #tpu.memory_space<vmem>> -> memref<100x64xf32, #tpu.memory_space<vmem>>
    %dma_start3A_68 = arith.constant 0 : i32
    %dma_start3A_69 = tpu.memref_slice %arg5[%dma_start3A_64, %dma_start3A_68] : memref<256x100xi32, #tpu.memory_space<vmem>> -> memref<1x100xi32, #tpu.memory_space<vmem>>
    %dma_start3A_70 = tpu.memref_squeeze %dma_start3A_69 : memref<1x100xi32, #tpu.memory_space<vmem>> -> memref<100xi32, #tpu.memory_space<vmem>>
    %dma_start3A_71 = arith.constant 0 : i32
    %dma_start3A_72 = arith.constant 0 : i32
    %dma_start3A_73 = tpu.memref_slice %arg2[%dma_start3A_71, %dma_start3A_72] : memref<1000000x64xf32, #tpu.memory_space<hbm>> -> memref<1000000x64xf32, #tpu.memory_space<hbm>>
    tpu.enqueue_indirect_dma source(%dma_start3A_73 : memref<1000000x64xf32, #tpu.memory_space<hbm>>) target(%dma_start3A_67 : memref<100x64xf32, #tpu.memory_space<vmem>>) offsets(%dma_start3A_70 : memref<100xi32, #tpu.memory_space<vmem>>) semaphore(%arg9 : memref<!tpu.dma_semaphore, #tpu.memory_space<semaphore_mem>>)
    %dma_start3A_74 = arith.constant 7 : i32
    %dma_start3A_75 = arith.constant 300 : i32
    %dma_start3A_76 = arith.constant 0 : i32
    %dma_start3A_77 = tpu.memref_slice %arg7[%dma_start3A_75, %dma_start3A_76] : memref<400x64xf32, #tpu.memory_space<vmem>> -> memref<100x64xf32, #tpu.memory_space<vmem>>
    %dma_start3A_78 = arith.constant 0 : i32
    %dma_start3A_79 = tpu.memref_slice %arg5[%dma_start3A_74, %dma_start3A_78] : memref<256x100xi32, #tpu.memory_space<vmem>> -> memref<1x100xi32, #tpu.memory_space<vmem>>
    %dma_start3A_80 = tpu.memref_squeeze %dma_start3A_79 : memref<1x100xi32, #tpu.memory_space<vmem>> -> memref<100xi32, #tpu.memory_space<vmem>>
    %dma_start3A_81 = arith.constant 0 : i32
    %dma_start3A_82 = arith.constant 0 : i32
    %dma_start3A_83 = tpu.memref_slice %arg2[%dma_start3A_81, %dma_start3A_82] : memref<1000000x64xf32, #tpu.memory_space<hbm>> -> memref<1000000x64xf32, #tpu.memory_space<hbm>>
    tpu.enqueue_indirect_dma source(%dma_start3A_83 : memref<1000000x64xf32, #tpu.memory_space<hbm>>) target(%dma_start3A_77 : memref<100x64xf32, #tpu.memory_space<vmem>>) offsets(%dma_start3A_80 : memref<100xi32, #tpu.memory_space<vmem>>) semaphore(%arg9 : memref<!tpu.dma_semaphore, #tpu.memory_space<semaphore_mem>>)
    %scan3A = arith.constant 0 : i32
    %scan3A_84 = arith.constant 0 : i32
    %scan3A_85 = arith.constant 31 : i32
    %scan3A_86 = arith.addi %scan3A_84, %scan3A_85 : i32
    %scan3A_87 = arith.constant 1 : i32
    scf.for %scan3A_372 = %scan3A_84 to %scan3A_86 step %scan3A_87  : i32 {
      %mul3A_373 = arith.constant 2 : i32
      %mul3A_374 = arith.muli %scan3A_372, %mul3A_373 : i32
      %add3A_375 = arith.constant 0 : i32
      %add3A_376 = arith.addi %mul3A_374, %add3A_375 : i32
      %dma_wait3A_377 = arith.constant 0 : i32
      %dma_wait3A_378 = arith.constant 0 : i32
      %dma_wait3A_379 = tpu.memref_slice %arg2[%dma_wait3A_377, %dma_wait3A_378] : memref<1000000x64xf32, #tpu.memory_space<hbm>> -> memref<400x64xf32, #tpu.memory_space<hbm>>
      %dma_wait3A_380 = arith.constant 0 : i32
      %dma_wait3A_381 = arith.constant 0 : i32
      %dma_wait3A_382 = tpu.memref_slice %arg2[%dma_wait3A_380, %dma_wait3A_381] : memref<1000000x64xf32, #tpu.memory_space<hbm>> -> memref<400x64xf32, #tpu.memory_space<hbm>>
      tpu.wait_dma2 semaphore(%arg8 : memref<!tpu.dma_semaphore, #tpu.memory_space<semaphore_mem>>) src(%dma_wait3A_382 : memref<400x64xf32, #tpu.memory_space<hbm>>) dst(%arg6 : memref<400x64xf32, #tpu.memory_space<vmem>>)
      %mul3A_383 = arith.constant 8 : i32
      %mul3A_384 = arith.muli %add3A_376, %mul3A_383 : i32
      %add3A_385 = arith.addi %mul3A_2, %mul3A_384 : i32
      %add3A_386 = arith.constant 0 : i32
      %add3A_387 = arith.addi %add3A_385, %add3A_386 : i32
      %dma_start3A_388 = arith.constant 0 : i32
      %dma_start3A_389 = arith.constant 0 : i32
      %dma_start3A_390 = tpu.memref_slice %arg6[%dma_start3A_388, %dma_start3A_389] : memref<400x64xf32, #tpu.memory_space<vmem>> -> memref<50x64xf32, #tpu.memory_space<vmem>>
      %dma_start3A_391 = arith.constant 0 : i32
      %dma_start3A_392 = arith.constant 0 : i32
      %dma_start3A_393 = tpu.memref_slice %arg4[%add3A_387, %dma_start3A_391, %dma_start3A_392] : memref<16384x50x64xf32, #tpu.memory_space<hbm>> -> memref<1x50x64xf32, #tpu.memory_space<hbm>>
      %dma_start3A_394 = tpu.memref_squeeze %dma_start3A_393 : memref<1x50x64xf32, #tpu.memory_space<hbm>> -> memref<50x64xf32, #tpu.memory_space<hbm>>
      %dma_start3A_395 = arith.constant 0 : i32
      %dma_start3A_396 = arith.constant 0 : i32
      %dma_start3A_397 = tpu.memref_slice %arg4[%add3A_387, %dma_start3A_395, %dma_start3A_396] : memref<16384x50x64xf32, #tpu.memory_space<hbm>> -> memref<1x50x64xf32, #tpu.memory_space<hbm>>
      %dma_start3A_398 = tpu.memref_squeeze %dma_start3A_397 : memref<1x50x64xf32, #tpu.memory_space<hbm>> -> memref<50x64xf32, #tpu.memory_space<hbm>>
      %dma_start3A_399 = arith.constant 0 : i32
      %dma_start3A_400 = arith.constant 0 : i32
      %dma_start3A_401 = tpu.memref_slice %arg6[%dma_start3A_399, %dma_start3A_400] : memref<400x64xf32, #tpu.memory_space<vmem>> -> memref<50x64xf32, #tpu.memory_space<vmem>>
      tpu.enqueue_dma source(%dma_start3A_401 : memref<50x64xf32, #tpu.memory_space<vmem>>) target(%dma_start3A_398 : memref<50x64xf32, #tpu.memory_space<hbm>>) target_semaphore(%arg10 : memref<!tpu.dma_semaphore, #tpu.memory_space<semaphore_mem>>)
      %add3A_402 = arith.constant 1 : i32
      %add3A_403 = arith.addi %add3A_385, %add3A_402 : i32
      %dma_start3A_404 = arith.constant 50 : i32
      %dma_start3A_405 = arith.constant 0 : i32
      %dma_start3A_406 = tpu.memref_slice %arg6[%dma_start3A_404, %dma_start3A_405] : memref<400x64xf32, #tpu.memory_space<vmem>> -> memref<50x64xf32, #tpu.memory_space<vmem>>
      %dma_start3A_407 = arith.constant 0 : i32
      %dma_start3A_408 = arith.constant 0 : i32
      %dma_start3A_409 = tpu.memref_slice %arg4[%add3A_403, %dma_start3A_407, %dma_start3A_408] : memref<16384x50x64xf32, #tpu.memory_space<hbm>> -> memref<1x50x64xf32, #tpu.memory_space<hbm>>
      %dma_start3A_410 = tpu.memref_squeeze %dma_start3A_409 : memref<1x50x64xf32, #tpu.memory_space<hbm>> -> memref<50x64xf32, #tpu.memory_space<hbm>>
      %dma_start3A_411 = arith.constant 0 : i32
      %dma_start3A_412 = arith.constant 0 : i32
      %dma_start3A_413 = tpu.memref_slice %arg4[%add3A_403, %dma_start3A_411, %dma_start3A_412] : memref<16384x50x64xf32, #tpu.memory_space<hbm>> -> memref<1x50x64xf32, #tpu.memory_space<hbm>>
      %dma_start3A_414 = tpu.memref_squeeze %dma_start3A_413 : memref<1x50x64xf32, #tpu.memory_space<hbm>> -> memref<50x64xf32, #tpu.memory_space<hbm>>
      %dma_start3A_415 = arith.constant 50 : i32
      %dma_start3A_416 = arith.constant 0 : i32
      %dma_start3A_417 = tpu.memref_slice %arg6[%dma_start3A_415, %dma_start3A_416] : memref<400x64xf32, #tpu.memory_space<vmem>> -> memref<50x64xf32, #tpu.memory_space<vmem>>
      tpu.enqueue_dma source(%dma_start3A_417 : memref<50x64xf32, #tpu.memory_space<vmem>>) target(%dma_start3A_414 : memref<50x64xf32, #tpu.memory_space<hbm>>) target_semaphore(%arg10 : memref<!tpu.dma_semaphore, #tpu.memory_space<semaphore_mem>>)
      %add3A_418 = arith.constant 2 : i32
      %add3A_419 = arith.addi %add3A_385, %add3A_418 : i32
      %dma_start3A_420 = arith.constant 100 : i32
      %dma_start3A_421 = arith.constant 0 : i32
      %dma_start3A_422 = tpu.memref_slice %arg6[%dma_start3A_420, %dma_start3A_421] : memref<400x64xf32, #tpu.memory_space<vmem>> -> memref<50x64xf32, #tpu.memory_space<vmem>>
      %dma_start3A_423 = arith.constant 0 : i32
      %dma_start3A_424 = arith.constant 0 : i32
      %dma_start3A_425 = tpu.memref_slice %arg4[%add3A_419, %dma_start3A_423, %dma_start3A_424] : memref<16384x50x64xf32, #tpu.memory_space<hbm>> -> memref<1x50x64xf32, #tpu.memory_space<hbm>>
      %dma_start3A_426 = tpu.memref_squeeze %dma_start3A_425 : memref<1x50x64xf32, #tpu.memory_space<hbm>> -> memref<50x64xf32, #tpu.memory_space<hbm>>
      %dma_start3A_427 = arith.constant 0 : i32
      %dma_start3A_428 = arith.constant 0 : i32
      %dma_start3A_429 = tpu.memref_slice %arg4[%add3A_419, %dma_start3A_427, %dma_start3A_428] : memref<16384x50x64xf32, #tpu.memory_space<hbm>> -> memref<1x50x64xf32, #tpu.memory_space<hbm>>
      %dma_start3A_430 = tpu.memref_squeeze %dma_start3A_429 : memref<1x50x64xf32, #tpu.memory_space<hbm>> -> memref<50x64xf32, #tpu.memory_space<hbm>>
      %dma_start3A_431 = arith.constant 100 : i32
      %dma_start3A_432 = arith.constant 0 : i32
      %dma_start3A_433 = tpu.memref_slice %arg6[%dma_start3A_431, %dma_start3A_432] : memref<400x64xf32, #tpu.memory_space<vmem>> -> memref<50x64xf32, #tpu.memory_space<vmem>>
      tpu.enqueue_dma source(%dma_start3A_433 : memref<50x64xf32, #tpu.memory_space<vmem>>) target(%dma_start3A_430 : memref<50x64xf32, #tpu.memory_space<hbm>>) target_semaphore(%arg10 : memref<!tpu.dma_semaphore, #tpu.memory_space<semaphore_mem>>)
      %add3A_434 = arith.constant 3 : i32
      %add3A_435 = arith.addi %add3A_385, %add3A_434 : i32
      %dma_start3A_436 = arith.constant 150 : i32
      %dma_start3A_437 = arith.constant 0 : i32
      %dma_start3A_438 = tpu.memref_slice %arg6[%dma_start3A_436, %dma_start3A_437] : memref<400x64xf32, #tpu.memory_space<vmem>> -> memref<50x64xf32, #tpu.memory_space<vmem>>
      %dma_start3A_439 = arith.constant 0 : i32
      %dma_start3A_440 = arith.constant 0 : i32
      %dma_start3A_441 = tpu.memref_slice %arg4[%add3A_435, %dma_start3A_439, %dma_start3A_440] : memref<16384x50x64xf32, #tpu.memory_space<hbm>> -> memref<1x50x64xf32, #tpu.memory_space<hbm>>
      %dma_start3A_442 = tpu.memref_squeeze %dma_start3A_441 : memref<1x50x64xf32, #tpu.memory_space<hbm>> -> memref<50x64xf32, #tpu.memory_space<hbm>>
      %dma_start3A_443 = arith.constant 0 : i32
      %dma_start3A_444 = arith.constant 0 : i32
      %dma_start3A_445 = tpu.memref_slice %arg4[%add3A_435, %dma_start3A_443, %dma_start3A_444] : memref<16384x50x64xf32, #tpu.memory_space<hbm>> -> memref<1x50x64xf32, #tpu.memory_space<hbm>>
      %dma_start3A_446 = tpu.memref_squeeze %dma_start3A_445 : memref<1x50x64xf32, #tpu.memory_space<hbm>> -> memref<50x64xf32, #tpu.memory_space<hbm>>
      %dma_start3A_447 = arith.constant 150 : i32
      %dma_start3A_448 = arith.constant 0 : i32
      %dma_start3A_449 = tpu.memref_slice %arg6[%dma_start3A_447, %dma_start3A_448] : memref<400x64xf32, #tpu.memory_space<vmem>> -> memref<50x64xf32, #tpu.memory_space<vmem>>
      tpu.enqueue_dma source(%dma_start3A_449 : memref<50x64xf32, #tpu.memory_space<vmem>>) target(%dma_start3A_446 : memref<50x64xf32, #tpu.memory_space<hbm>>) target_semaphore(%arg10 : memref<!tpu.dma_semaphore, #tpu.memory_space<semaphore_mem>>)
      %add3A_450 = arith.constant 4 : i32
      %add3A_451 = arith.addi %add3A_385, %add3A_450 : i32
      %dma_start3A_452 = arith.constant 200 : i32
      %dma_start3A_453 = arith.constant 0 : i32
      %dma_start3A_454 = tpu.memref_slice %arg6[%dma_start3A_452, %dma_start3A_453] : memref<400x64xf32, #tpu.memory_space<vmem>> -> memref<50x64xf32, #tpu.memory_space<vmem>>
      %dma_start3A_455 = arith.constant 0 : i32
      %dma_start3A_456 = arith.constant 0 : i32
      %dma_start3A_457 = tpu.memref_slice %arg4[%add3A_451, %dma_start3A_455, %dma_start3A_456] : memref<16384x50x64xf32, #tpu.memory_space<hbm>> -> memref<1x50x64xf32, #tpu.memory_space<hbm>>
      %dma_start3A_458 = tpu.memref_squeeze %dma_start3A_457 : memref<1x50x64xf32, #tpu.memory_space<hbm>> -> memref<50x64xf32, #tpu.memory_space<hbm>>
      %dma_start3A_459 = arith.constant 0 : i32
      %dma_start3A_460 = arith.constant 0 : i32
      %dma_start3A_461 = tpu.memref_slice %arg4[%add3A_451, %dma_start3A_459, %dma_start3A_460] : memref<16384x50x64xf32, #tpu.memory_space<hbm>> -> memref<1x50x64xf32, #tpu.memory_space<hbm>>
      %dma_start3A_462 = tpu.memref_squeeze %dma_start3A_461 : memref<1x50x64xf32, #tpu.memory_space<hbm>> -> memref<50x64xf32, #tpu.memory_space<hbm>>
      %dma_start3A_463 = arith.constant 200 : i32
      %dma_start3A_464 = arith.constant 0 : i32
      %dma_start3A_465 = tpu.memref_slice %arg6[%dma_start3A_463, %dma_start3A_464] : memref<400x64xf32, #tpu.memory_space<vmem>> -> memref<50x64xf32, #tpu.memory_space<vmem>>
      tpu.enqueue_dma source(%dma_start3A_465 : memref<50x64xf32, #tpu.memory_space<vmem>>) target(%dma_start3A_462 : memref<50x64xf32, #tpu.memory_space<hbm>>) target_semaphore(%arg10 : memref<!tpu.dma_semaphore, #tpu.memory_space<semaphore_mem>>)
      %add3A_466 = arith.constant 5 : i32
      %add3A_467 = arith.addi %add3A_385, %add3A_466 : i32
      %dma_start3A_468 = arith.constant 250 : i32
      %dma_start3A_469 = arith.constant 0 : i32
      %dma_start3A_470 = tpu.memref_slice %arg6[%dma_start3A_468, %dma_start3A_469] : memref<400x64xf32, #tpu.memory_space<vmem>> -> memref<50x64xf32, #tpu.memory_space<vmem>>
      %dma_start3A_471 = arith.constant 0 : i32
      %dma_start3A_472 = arith.constant 0 : i32
      %dma_start3A_473 = tpu.memref_slice %arg4[%add3A_467, %dma_start3A_471, %dma_start3A_472] : memref<16384x50x64xf32, #tpu.memory_space<hbm>> -> memref<1x50x64xf32, #tpu.memory_space<hbm>>
      %dma_start3A_474 = tpu.memref_squeeze %dma_start3A_473 : memref<1x50x64xf32, #tpu.memory_space<hbm>> -> memref<50x64xf32, #tpu.memory_space<hbm>>
      %dma_start3A_475 = arith.constant 0 : i32
      %dma_start3A_476 = arith.constant 0 : i32
      %dma_start3A_477 = tpu.memref_slice %arg4[%add3A_467, %dma_start3A_475, %dma_start3A_476] : memref<16384x50x64xf32, #tpu.memory_space<hbm>> -> memref<1x50x64xf32, #tpu.memory_space<hbm>>
      %dma_start3A_478 = tpu.memref_squeeze %dma_start3A_477 : memref<1x50x64xf32, #tpu.memory_space<hbm>> -> memref<50x64xf32, #tpu.memory_space<hbm>>
      %dma_start3A_479 = arith.constant 250 : i32
      %dma_start3A_480 = arith.constant 0 : i32
      %dma_start3A_481 = tpu.memref_slice %arg6[%dma_start3A_479, %dma_start3A_480] : memref<400x64xf32, #tpu.memory_space<vmem>> -> memref<50x64xf32, #tpu.memory_space<vmem>>
      tpu.enqueue_dma source(%dma_start3A_481 : memref<50x64xf32, #tpu.memory_space<vmem>>) target(%dma_start3A_478 : memref<50x64xf32, #tpu.memory_space<hbm>>) target_semaphore(%arg10 : memref<!tpu.dma_semaphore, #tpu.memory_space<semaphore_mem>>)
      %add3A_482 = arith.constant 6 : i32
      %add3A_483 = arith.addi %add3A_385, %add3A_482 : i32
      %dma_start3A_484 = arith.constant 300 : i32
      %dma_start3A_485 = arith.constant 0 : i32
      %dma_start3A_486 = tpu.memref_slice %arg6[%dma_start3A_484, %dma_start3A_485] : memref<400x64xf32, #tpu.memory_space<vmem>> -> memref<50x64xf32, #tpu.memory_space<vmem>>
      %dma_start3A_487 = arith.constant 0 : i32
      %dma_start3A_488 = arith.constant 0 : i32
      %dma_start3A_489 = tpu.memref_slice %arg4[%add3A_483, %dma_start3A_487, %dma_start3A_488] : memref<16384x50x64xf32, #tpu.memory_space<hbm>> -> memref<1x50x64xf32, #tpu.memory_space<hbm>>
      %dma_start3A_490 = tpu.memref_squeeze %dma_start3A_489 : memref<1x50x64xf32, #tpu.memory_space<hbm>> -> memref<50x64xf32, #tpu.memory_space<hbm>>
      %dma_start3A_491 = arith.constant 0 : i32
      %dma_start3A_492 = arith.constant 0 : i32
      %dma_start3A_493 = tpu.memref_slice %arg4[%add3A_483, %dma_start3A_491, %dma_start3A_492] : memref<16384x50x64xf32, #tpu.memory_space<hbm>> -> memref<1x50x64xf32, #tpu.memory_space<hbm>>
      %dma_start3A_494 = tpu.memref_squeeze %dma_start3A_493 : memref<1x50x64xf32, #tpu.memory_space<hbm>> -> memref<50x64xf32, #tpu.memory_space<hbm>>
      %dma_start3A_495 = arith.constant 300 : i32
      %dma_start3A_496 = arith.constant 0 : i32
      %dma_start3A_497 = tpu.memref_slice %arg6[%dma_start3A_495, %dma_start3A_496] : memref<400x64xf32, #tpu.memory_space<vmem>> -> memref<50x64xf32, #tpu.memory_space<vmem>>
      tpu.enqueue_dma source(%dma_start3A_497 : memref<50x64xf32, #tpu.memory_space<vmem>>) target(%dma_start3A_494 : memref<50x64xf32, #tpu.memory_space<hbm>>) target_semaphore(%arg10 : memref<!tpu.dma_semaphore, #tpu.memory_space<semaphore_mem>>)
      %add3A_498 = arith.constant 7 : i32
      %add3A_499 = arith.addi %add3A_385, %add3A_498 : i32
      %dma_start3A_500 = arith.constant 350 : i32
      %dma_start3A_501 = arith.constant 0 : i32
      %dma_start3A_502 = tpu.memref_slice %arg6[%dma_start3A_500, %dma_start3A_501] : memref<400x64xf32, #tpu.memory_space<vmem>> -> memref<50x64xf32, #tpu.memory_space<vmem>>
      %dma_start3A_503 = arith.constant 0 : i32
      %dma_start3A_504 = arith.constant 0 : i32
      %dma_start3A_505 = tpu.memref_slice %arg4[%add3A_499, %dma_start3A_503, %dma_start3A_504] : memref<16384x50x64xf32, #tpu.memory_space<hbm>> -> memref<1x50x64xf32, #tpu.memory_space<hbm>>
      %dma_start3A_506 = tpu.memref_squeeze %dma_start3A_505 : memref<1x50x64xf32, #tpu.memory_space<hbm>> -> memref<50x64xf32, #tpu.memory_space<hbm>>
      %dma_start3A_507 = arith.constant 0 : i32
      %dma_start3A_508 = arith.constant 0 : i32
      %dma_start3A_509 = tpu.memref_slice %arg4[%add3A_499, %dma_start3A_507, %dma_start3A_508] : memref<16384x50x64xf32, #tpu.memory_space<hbm>> -> memref<1x50x64xf32, #tpu.memory_space<hbm>>
      %dma_start3A_510 = tpu.memref_squeeze %dma_start3A_509 : memref<1x50x64xf32, #tpu.memory_space<hbm>> -> memref<50x64xf32, #tpu.memory_space<hbm>>
      %dma_start3A_511 = arith.constant 350 : i32
      %dma_start3A_512 = arith.constant 0 : i32
      %dma_start3A_513 = tpu.memref_slice %arg6[%dma_start3A_511, %dma_start3A_512] : memref<400x64xf32, #tpu.memory_space<vmem>> -> memref<50x64xf32, #tpu.memory_space<vmem>>
      tpu.enqueue_dma source(%dma_start3A_513 : memref<50x64xf32, #tpu.memory_space<vmem>>) target(%dma_start3A_510 : memref<50x64xf32, #tpu.memory_space<hbm>>) target_semaphore(%arg10 : memref<!tpu.dma_semaphore, #tpu.memory_space<semaphore_mem>>)
      %dma_wait3A_514 = arith.constant 0 : i32
      %dma_wait3A_515 = arith.constant 0 : i32
      %dma_wait3A_516 = tpu.memref_slice %arg2[%dma_wait3A_514, %dma_wait3A_515] : memref<1000000x64xf32, #tpu.memory_space<hbm>> -> memref<400x64xf32, #tpu.memory_space<hbm>>
      %dma_wait3A_517 = arith.constant 0 : i32
      %dma_wait3A_518 = arith.constant 0 : i32
      %dma_wait3A_519 = tpu.memref_slice %arg2[%dma_wait3A_517, %dma_wait3A_518] : memref<1000000x64xf32, #tpu.memory_space<hbm>> -> memref<400x64xf32, #tpu.memory_space<hbm>>
      tpu.wait_dma2 semaphore(%arg10 : memref<!tpu.dma_semaphore, #tpu.memory_space<semaphore_mem>>) src(%dma_wait3A_519 : memref<400x64xf32, #tpu.memory_space<hbm>>) dst(%arg6 : memref<400x64xf32, #tpu.memory_space<vmem>>)
      %add3A_520 = arith.constant 2 : i32
      %add3A_521 = arith.addi %add3A_376, %add3A_520 : i32
      %mul3A_522 = arith.constant 4 : i32
      %mul3A_523 = arith.muli %add3A_521, %mul3A_522 : i32
      %add3A_524 = arith.constant 0 : i32
      %add3A_525 = arith.addi %mul3A_523, %add3A_524 : i32
      %dma_start3A_526 = arith.constant 0 : i32
      %dma_start3A_527 = arith.constant 0 : i32
      %dma_start3A_528 = tpu.memref_slice %arg6[%dma_start3A_526, %dma_start3A_527] : memref<400x64xf32, #tpu.memory_space<vmem>> -> memref<100x64xf32, #tpu.memory_space<vmem>>
      %dma_start3A_529 = arith.constant 0 : i32
      %dma_start3A_530 = tpu.memref_slice %arg5[%add3A_525, %dma_start3A_529] : memref<256x100xi32, #tpu.memory_space<vmem>> -> memref<1x100xi32, #tpu.memory_space<vmem>>
      %dma_start3A_531 = tpu.memref_squeeze %dma_start3A_530 : memref<1x100xi32, #tpu.memory_space<vmem>> -> memref<100xi32, #tpu.memory_space<vmem>>
      %dma_start3A_532 = arith.constant 0 : i32
      %dma_start3A_533 = arith.constant 0 : i32
      %dma_start3A_534 = tpu.memref_slice %arg2[%dma_start3A_532, %dma_start3A_533] : memref<1000000x64xf32, #tpu.memory_space<hbm>> -> memref<1000000x64xf32, #tpu.memory_space<hbm>>
      tpu.enqueue_indirect_dma source(%dma_start3A_534 : memref<1000000x64xf32, #tpu.memory_space<hbm>>) target(%dma_start3A_528 : memref<100x64xf32, #tpu.memory_space<vmem>>) offsets(%dma_start3A_531 : memref<100xi32, #tpu.memory_space<vmem>>) semaphore(%arg8 : memref<!tpu.dma_semaphore, #tpu.memory_space<semaphore_mem>>)
      %mul3A_535 = arith.constant 4 : i32
      %mul3A_536 = arith.muli %add3A_521, %mul3A_535 : i32
      %add3A_537 = arith.constant 1 : i32
      %add3A_538 = arith.addi %mul3A_536, %add3A_537 : i32
      %dma_start3A_539 = arith.constant 100 : i32
      %dma_start3A_540 = arith.constant 0 : i32
      %dma_start3A_541 = tpu.memref_slice %arg6[%dma_start3A_539, %dma_start3A_540] : memref<400x64xf32, #tpu.memory_space<vmem>> -> memref<100x64xf32, #tpu.memory_space<vmem>>
      %dma_start3A_542 = arith.constant 0 : i32
      %dma_start3A_543 = tpu.memref_slice %arg5[%add3A_538, %dma_start3A_542] : memref<256x100xi32, #tpu.memory_space<vmem>> -> memref<1x100xi32, #tpu.memory_space<vmem>>
      %dma_start3A_544 = tpu.memref_squeeze %dma_start3A_543 : memref<1x100xi32, #tpu.memory_space<vmem>> -> memref<100xi32, #tpu.memory_space<vmem>>
      %dma_start3A_545 = arith.constant 0 : i32
      %dma_start3A_546 = arith.constant 0 : i32
      %dma_start3A_547 = tpu.memref_slice %arg2[%dma_start3A_545, %dma_start3A_546] : memref<1000000x64xf32, #tpu.memory_space<hbm>> -> memref<1000000x64xf32, #tpu.memory_space<hbm>>
      tpu.enqueue_indirect_dma source(%dma_start3A_547 : memref<1000000x64xf32, #tpu.memory_space<hbm>>) target(%dma_start3A_541 : memref<100x64xf32, #tpu.memory_space<vmem>>) offsets(%dma_start3A_544 : memref<100xi32, #tpu.memory_space<vmem>>) semaphore(%arg8 : memref<!tpu.dma_semaphore, #tpu.memory_space<semaphore_mem>>)
      %mul3A_548 = arith.constant 4 : i32
      %mul3A_549 = arith.muli %add3A_521, %mul3A_548 : i32
      %add3A_550 = arith.constant 2 : i32
      %add3A_551 = arith.addi %mul3A_549, %add3A_550 : i32
      %dma_start3A_552 = arith.constant 200 : i32
      %dma_start3A_553 = arith.constant 0 : i32
      %dma_start3A_554 = tpu.memref_slice %arg6[%dma_start3A_552, %dma_start3A_553] : memref<400x64xf32, #tpu.memory_space<vmem>> -> memref<100x64xf32, #tpu.memory_space<vmem>>
      %dma_start3A_555 = arith.constant 0 : i32
      %dma_start3A_556 = tpu.memref_slice %arg5[%add3A_551, %dma_start3A_555] : memref<256x100xi32, #tpu.memory_space<vmem>> -> memref<1x100xi32, #tpu.memory_space<vmem>>
      %dma_start3A_557 = tpu.memref_squeeze %dma_start3A_556 : memref<1x100xi32, #tpu.memory_space<vmem>> -> memref<100xi32, #tpu.memory_space<vmem>>
      %dma_start3A_558 = arith.constant 0 : i32
      %dma_start3A_559 = arith.constant 0 : i32
      %dma_start3A_560 = tpu.memref_slice %arg2[%dma_start3A_558, %dma_start3A_559] : memref<1000000x64xf32, #tpu.memory_space<hbm>> -> memref<1000000x64xf32, #tpu.memory_space<hbm>>
      tpu.enqueue_indirect_dma source(%dma_start3A_560 : memref<1000000x64xf32, #tpu.memory_space<hbm>>) target(%dma_start3A_554 : memref<100x64xf32, #tpu.memory_space<vmem>>) offsets(%dma_start3A_557 : memref<100xi32, #tpu.memory_space<vmem>>) semaphore(%arg8 : memref<!tpu.dma_semaphore, #tpu.memory_space<semaphore_mem>>)
      %mul3A_561 = arith.constant 4 : i32
      %mul3A_562 = arith.muli %add3A_521, %mul3A_561 : i32
      %add3A_563 = arith.constant 3 : i32
      %add3A_564 = arith.addi %mul3A_562, %add3A_563 : i32
      %dma_start3A_565 = arith.constant 300 : i32
      %dma_start3A_566 = arith.constant 0 : i32
      %dma_start3A_567 = tpu.memref_slice %arg6[%dma_start3A_565, %dma_start3A_566] : memref<400x64xf32, #tpu.memory_space<vmem>> -> memref<100x64xf32, #tpu.memory_space<vmem>>
      %dma_start3A_568 = arith.constant 0 : i32
      %dma_start3A_569 = tpu.memref_slice %arg5[%add3A_564, %dma_start3A_568] : memref<256x100xi32, #tpu.memory_space<vmem>> -> memref<1x100xi32, #tpu.memory_space<vmem>>
      %dma_start3A_570 = tpu.memref_squeeze %dma_start3A_569 : memref<1x100xi32, #tpu.memory_space<vmem>> -> memref<100xi32, #tpu.memory_space<vmem>>
      %dma_start3A_571 = arith.constant 0 : i32
      %dma_start3A_572 = arith.constant 0 : i32
      %dma_start3A_573 = tpu.memref_slice %arg2[%dma_start3A_571, %dma_start3A_572] : memref<1000000x64xf32, #tpu.memory_space<hbm>> -> memref<1000000x64xf32, #tpu.memory_space<hbm>>
      tpu.enqueue_indirect_dma source(%dma_start3A_573 : memref<1000000x64xf32, #tpu.memory_space<hbm>>) target(%dma_start3A_567 : memref<100x64xf32, #tpu.memory_space<vmem>>) offsets(%dma_start3A_570 : memref<100xi32, #tpu.memory_space<vmem>>) semaphore(%arg8 : memref<!tpu.dma_semaphore, #tpu.memory_space<semaphore_mem>>)
      %mul3A_574 = arith.constant 2 : i32
      %mul3A_575 = arith.muli %scan3A_372, %mul3A_574 : i32
      %add3A_576 = arith.constant 1 : i32
      %add3A_577 = arith.addi %mul3A_575, %add3A_576 : i32
      %dma_wait3A_578 = arith.constant 0 : i32
      %dma_wait3A_579 = arith.constant 0 : i32
      %dma_wait3A_580 = tpu.memref_slice %arg2[%dma_wait3A_578, %dma_wait3A_579] : memref<1000000x64xf32, #tpu.memory_space<hbm>> -> memref<400x64xf32, #tpu.memory_space<hbm>>
      %dma_wait3A_581 = arith.constant 0 : i32
      %dma_wait3A_582 = arith.constant 0 : i32
      %dma_wait3A_583 = tpu.memref_slice %arg2[%dma_wait3A_581, %dma_wait3A_582] : memref<1000000x64xf32, #tpu.memory_space<hbm>> -> memref<400x64xf32, #tpu.memory_space<hbm>>
      tpu.wait_dma2 semaphore(%arg9 : memref<!tpu.dma_semaphore, #tpu.memory_space<semaphore_mem>>) src(%dma_wait3A_583 : memref<400x64xf32, #tpu.memory_space<hbm>>) dst(%arg7 : memref<400x64xf32, #tpu.memory_space<vmem>>)
      %mul3A_584 = arith.constant 8 : i32
      %mul3A_585 = arith.muli %add3A_577, %mul3A_584 : i32
      %add3A_586 = arith.addi %mul3A_2, %mul3A_585 : i32
      %add3A_587 = arith.constant 0 : i32
      %add3A_588 = arith.addi %add3A_586, %add3A_587 : i32
      %dma_start3A_589 = arith.constant 0 : i32
      %dma_start3A_590 = arith.constant 0 : i32
      %dma_start3A_591 = tpu.memref_slice %arg7[%dma_start3A_589, %dma_start3A_590] : memref<400x64xf32, #tpu.memory_space<vmem>> -> memref<50x64xf32, #tpu.memory_space<vmem>>
      %dma_start3A_592 = arith.constant 0 : i32
      %dma_start3A_593 = arith.constant 0 : i32
      %dma_start3A_594 = tpu.memref_slice %arg4[%add3A_588, %dma_start3A_592, %dma_start3A_593] : memref<16384x50x64xf32, #tpu.memory_space<hbm>> -> memref<1x50x64xf32, #tpu.memory_space<hbm>>
      %dma_start3A_595 = tpu.memref_squeeze %dma_start3A_594 : memref<1x50x64xf32, #tpu.memory_space<hbm>> -> memref<50x64xf32, #tpu.memory_space<hbm>>
      %dma_start3A_596 = arith.constant 0 : i32
      %dma_start3A_597 = arith.constant 0 : i32
      %dma_start3A_598 = tpu.memref_slice %arg4[%add3A_588, %dma_start3A_596, %dma_start3A_597] : memref<16384x50x64xf32, #tpu.memory_space<hbm>> -> memref<1x50x64xf32, #tpu.memory_space<hbm>>
      %dma_start3A_599 = tpu.memref_squeeze %dma_start3A_598 : memref<1x50x64xf32, #tpu.memory_space<hbm>> -> memref<50x64xf32, #tpu.memory_space<hbm>>
      %dma_start3A_600 = arith.constant 0 : i32
      %dma_start3A_601 = arith.constant 0 : i32
      %dma_start3A_602 = tpu.memref_slice %arg7[%dma_start3A_600, %dma_start3A_601] : memref<400x64xf32, #tpu.memory_space<vmem>> -> memref<50x64xf32, #tpu.memory_space<vmem>>
      tpu.enqueue_dma source(%dma_start3A_602 : memref<50x64xf32, #tpu.memory_space<vmem>>) target(%dma_start3A_599 : memref<50x64xf32, #tpu.memory_space<hbm>>) target_semaphore(%arg11 : memref<!tpu.dma_semaphore, #tpu.memory_space<semaphore_mem>>)
      %add3A_603 = arith.constant 1 : i32
      %add3A_604 = arith.addi %add3A_586, %add3A_603 : i32
      %dma_start3A_605 = arith.constant 50 : i32
      %dma_start3A_606 = arith.constant 0 : i32
      %dma_start3A_607 = tpu.memref_slice %arg7[%dma_start3A_605, %dma_start3A_606] : memref<400x64xf32, #tpu.memory_space<vmem>> -> memref<50x64xf32, #tpu.memory_space<vmem>>
      %dma_start3A_608 = arith.constant 0 : i32
      %dma_start3A_609 = arith.constant 0 : i32
      %dma_start3A_610 = tpu.memref_slice %arg4[%add3A_604, %dma_start3A_608, %dma_start3A_609] : memref<16384x50x64xf32, #tpu.memory_space<hbm>> -> memref<1x50x64xf32, #tpu.memory_space<hbm>>
      %dma_start3A_611 = tpu.memref_squeeze %dma_start3A_610 : memref<1x50x64xf32, #tpu.memory_space<hbm>> -> memref<50x64xf32, #tpu.memory_space<hbm>>
      %dma_start3A_612 = arith.constant 0 : i32
      %dma_start3A_613 = arith.constant 0 : i32
      %dma_start3A_614 = tpu.memref_slice %arg4[%add3A_604, %dma_start3A_612, %dma_start3A_613] : memref<16384x50x64xf32, #tpu.memory_space<hbm>> -> memref<1x50x64xf32, #tpu.memory_space<hbm>>
      %dma_start3A_615 = tpu.memref_squeeze %dma_start3A_614 : memref<1x50x64xf32, #tpu.memory_space<hbm>> -> memref<50x64xf32, #tpu.memory_space<hbm>>
      %dma_start3A_616 = arith.constant 50 : i32
      %dma_start3A_617 = arith.constant 0 : i32
      %dma_start3A_618 = tpu.memref_slice %arg7[%dma_start3A_616, %dma_start3A_617] : memref<400x64xf32, #tpu.memory_space<vmem>> -> memref<50x64xf32, #tpu.memory_space<vmem>>
      tpu.enqueue_dma source(%dma_start3A_618 : memref<50x64xf32, #tpu.memory_space<vmem>>) target(%dma_start3A_615 : memref<50x64xf32, #tpu.memory_space<hbm>>) target_semaphore(%arg11 : memref<!tpu.dma_semaphore, #tpu.memory_space<semaphore_mem>>)
      %add3A_619 = arith.constant 2 : i32
      %add3A_620 = arith.addi %add3A_586, %add3A_619 : i32
      %dma_start3A_621 = arith.constant 100 : i32
      %dma_start3A_622 = arith.constant 0 : i32
      %dma_start3A_623 = tpu.memref_slice %arg7[%dma_start3A_621, %dma_start3A_622] : memref<400x64xf32, #tpu.memory_space<vmem>> -> memref<50x64xf32, #tpu.memory_space<vmem>>
      %dma_start3A_624 = arith.constant 0 : i32
      %dma_start3A_625 = arith.constant 0 : i32
      %dma_start3A_626 = tpu.memref_slice %arg4[%add3A_620, %dma_start3A_624, %dma_start3A_625] : memref<16384x50x64xf32, #tpu.memory_space<hbm>> -> memref<1x50x64xf32, #tpu.memory_space<hbm>>
      %dma_start3A_627 = tpu.memref_squeeze %dma_start3A_626 : memref<1x50x64xf32, #tpu.memory_space<hbm>> -> memref<50x64xf32, #tpu.memory_space<hbm>>
      %dma_start3A_628 = arith.constant 0 : i32
      %dma_start3A_629 = arith.constant 0 : i32
      %dma_start3A_630 = tpu.memref_slice %arg4[%add3A_620, %dma_start3A_628, %dma_start3A_629] : memref<16384x50x64xf32, #tpu.memory_space<hbm>> -> memref<1x50x64xf32, #tpu.memory_space<hbm>>
      %dma_start3A_631 = tpu.memref_squeeze %dma_start3A_630 : memref<1x50x64xf32, #tpu.memory_space<hbm>> -> memref<50x64xf32, #tpu.memory_space<hbm>>
      %dma_start3A_632 = arith.constant 100 : i32
      %dma_start3A_633 = arith.constant 0 : i32
      %dma_start3A_634 = tpu.memref_slice %arg7[%dma_start3A_632, %dma_start3A_633] : memref<400x64xf32, #tpu.memory_space<vmem>> -> memref<50x64xf32, #tpu.memory_space<vmem>>
      tpu.enqueue_dma source(%dma_start3A_634 : memref<50x64xf32, #tpu.memory_space<vmem>>) target(%dma_start3A_631 : memref<50x64xf32, #tpu.memory_space<hbm>>) target_semaphore(%arg11 : memref<!tpu.dma_semaphore, #tpu.memory_space<semaphore_mem>>)
      %add3A_635 = arith.constant 3 : i32
      %add3A_636 = arith.addi %add3A_586, %add3A_635 : i32
      %dma_start3A_637 = arith.constant 150 : i32
      %dma_start3A_638 = arith.constant 0 : i32
      %dma_start3A_639 = tpu.memref_slice %arg7[%dma_start3A_637, %dma_start3A_638] : memref<400x64xf32, #tpu.memory_space<vmem>> -> memref<50x64xf32, #tpu.memory_space<vmem>>
      %dma_start3A_640 = arith.constant 0 : i32
      %dma_start3A_641 = arith.constant 0 : i32
      %dma_start3A_642 = tpu.memref_slice %arg4[%add3A_636, %dma_start3A_640, %dma_start3A_641] : memref<16384x50x64xf32, #tpu.memory_space<hbm>> -> memref<1x50x64xf32, #tpu.memory_space<hbm>>
      %dma_start3A_643 = tpu.memref_squeeze %dma_start3A_642 : memref<1x50x64xf32, #tpu.memory_space<hbm>> -> memref<50x64xf32, #tpu.memory_space<hbm>>
      %dma_start3A_644 = arith.constant 0 : i32
      %dma_start3A_645 = arith.constant 0 : i32
      %dma_start3A_646 = tpu.memref_slice %arg4[%add3A_636, %dma_start3A_644, %dma_start3A_645] : memref<16384x50x64xf32, #tpu.memory_space<hbm>> -> memref<1x50x64xf32, #tpu.memory_space<hbm>>
      %dma_start3A_647 = tpu.memref_squeeze %dma_start3A_646 : memref<1x50x64xf32, #tpu.memory_space<hbm>> -> memref<50x64xf32, #tpu.memory_space<hbm>>
      %dma_start3A_648 = arith.constant 150 : i32
      %dma_start3A_649 = arith.constant 0 : i32
      %dma_start3A_650 = tpu.memref_slice %arg7[%dma_start3A_648, %dma_start3A_649] : memref<400x64xf32, #tpu.memory_space<vmem>> -> memref<50x64xf32, #tpu.memory_space<vmem>>
      tpu.enqueue_dma source(%dma_start3A_650 : memref<50x64xf32, #tpu.memory_space<vmem>>) target(%dma_start3A_647 : memref<50x64xf32, #tpu.memory_space<hbm>>) target_semaphore(%arg11 : memref<!tpu.dma_semaphore, #tpu.memory_space<semaphore_mem>>)
      %add3A_651 = arith.constant 4 : i32
      %add3A_652 = arith.addi %add3A_586, %add3A_651 : i32
      %dma_start3A_653 = arith.constant 200 : i32
      %dma_start3A_654 = arith.constant 0 : i32
      %dma_start3A_655 = tpu.memref_slice %arg7[%dma_start3A_653, %dma_start3A_654] : memref<400x64xf32, #tpu.memory_space<vmem>> -> memref<50x64xf32, #tpu.memory_space<vmem>>
      %dma_start3A_656 = arith.constant 0 : i32
      %dma_start3A_657 = arith.constant 0 : i32
      %dma_start3A_658 = tpu.memref_slice %arg4[%add3A_652, %dma_start3A_656, %dma_start3A_657] : memref<16384x50x64xf32, #tpu.memory_space<hbm>> -> memref<1x50x64xf32, #tpu.memory_space<hbm>>
      %dma_start3A_659 = tpu.memref_squeeze %dma_start3A_658 : memref<1x50x64xf32, #tpu.memory_space<hbm>> -> memref<50x64xf32, #tpu.memory_space<hbm>>
      %dma_start3A_660 = arith.constant 0 : i32
      %dma_start3A_661 = arith.constant 0 : i32
      %dma_start3A_662 = tpu.memref_slice %arg4[%add3A_652, %dma_start3A_660, %dma_start3A_661] : memref<16384x50x64xf32, #tpu.memory_space<hbm>> -> memref<1x50x64xf32, #tpu.memory_space<hbm>>
      %dma_start3A_663 = tpu.memref_squeeze %dma_start3A_662 : memref<1x50x64xf32, #tpu.memory_space<hbm>> -> memref<50x64xf32, #tpu.memory_space<hbm>>
      %dma_start3A_664 = arith.constant 200 : i32
      %dma_start3A_665 = arith.constant 0 : i32
      %dma_start3A_666 = tpu.memref_slice %arg7[%dma_start3A_664, %dma_start3A_665] : memref<400x64xf32, #tpu.memory_space<vmem>> -> memref<50x64xf32, #tpu.memory_space<vmem>>
      tpu.enqueue_dma source(%dma_start3A_666 : memref<50x64xf32, #tpu.memory_space<vmem>>) target(%dma_start3A_663 : memref<50x64xf32, #tpu.memory_space<hbm>>) target_semaphore(%arg11 : memref<!tpu.dma_semaphore, #tpu.memory_space<semaphore_mem>>)
      %add3A_667 = arith.constant 5 : i32
      %add3A_668 = arith.addi %add3A_586, %add3A_667 : i32
      %dma_start3A_669 = arith.constant 250 : i32
      %dma_start3A_670 = arith.constant 0 : i32
      %dma_start3A_671 = tpu.memref_slice %arg7[%dma_start3A_669, %dma_start3A_670] : memref<400x64xf32, #tpu.memory_space<vmem>> -> memref<50x64xf32, #tpu.memory_space<vmem>>
      %dma_start3A_672 = arith.constant 0 : i32
      %dma_start3A_673 = arith.constant 0 : i32
      %dma_start3A_674 = tpu.memref_slice %arg4[%add3A_668, %dma_start3A_672, %dma_start3A_673] : memref<16384x50x64xf32, #tpu.memory_space<hbm>> -> memref<1x50x64xf32, #tpu.memory_space<hbm>>
      %dma_start3A_675 = tpu.memref_squeeze %dma_start3A_674 : memref<1x50x64xf32, #tpu.memory_space<hbm>> -> memref<50x64xf32, #tpu.memory_space<hbm>>
      %dma_start3A_676 = arith.constant 0 : i32
      %dma_start3A_677 = arith.constant 0 : i32
      %dma_start3A_678 = tpu.memref_slice %arg4[%add3A_668, %dma_start3A_676, %dma_start3A_677] : memref<16384x50x64xf32, #tpu.memory_space<hbm>> -> memref<1x50x64xf32, #tpu.memory_space<hbm>>
      %dma_start3A_679 = tpu.memref_squeeze %dma_start3A_678 : memref<1x50x64xf32, #tpu.memory_space<hbm>> -> memref<50x64xf32, #tpu.memory_space<hbm>>
      %dma_start3A_680 = arith.constant 250 : i32
      %dma_start3A_681 = arith.constant 0 : i32
      %dma_start3A_682 = tpu.memref_slice %arg7[%dma_start3A_680, %dma_start3A_681] : memref<400x64xf32, #tpu.memory_space<vmem>> -> memref<50x64xf32, #tpu.memory_space<vmem>>
      tpu.enqueue_dma source(%dma_start3A_682 : memref<50x64xf32, #tpu.memory_space<vmem>>) target(%dma_start3A_679 : memref<50x64xf32, #tpu.memory_space<hbm>>) target_semaphore(%arg11 : memref<!tpu.dma_semaphore, #tpu.memory_space<semaphore_mem>>)
      %add3A_683 = arith.constant 6 : i32
      %add3A_684 = arith.addi %add3A_586, %add3A_683 : i32
      %dma_start3A_685 = arith.constant 300 : i32
      %dma_start3A_686 = arith.constant 0 : i32
      %dma_start3A_687 = tpu.memref_slice %arg7[%dma_start3A_685, %dma_start3A_686] : memref<400x64xf32, #tpu.memory_space<vmem>> -> memref<50x64xf32, #tpu.memory_space<vmem>>
      %dma_start3A_688 = arith.constant 0 : i32
      %dma_start3A_689 = arith.constant 0 : i32
      %dma_start3A_690 = tpu.memref_slice %arg4[%add3A_684, %dma_start3A_688, %dma_start3A_689] : memref<16384x50x64xf32, #tpu.memory_space<hbm>> -> memref<1x50x64xf32, #tpu.memory_space<hbm>>
      %dma_start3A_691 = tpu.memref_squeeze %dma_start3A_690 : memref<1x50x64xf32, #tpu.memory_space<hbm>> -> memref<50x64xf32, #tpu.memory_space<hbm>>
      %dma_start3A_692 = arith.constant 0 : i32
      %dma_start3A_693 = arith.constant 0 : i32
      %dma_start3A_694 = tpu.memref_slice %arg4[%add3A_684, %dma_start3A_692, %dma_start3A_693] : memref<16384x50x64xf32, #tpu.memory_space<hbm>> -> memref<1x50x64xf32, #tpu.memory_space<hbm>>
      %dma_start3A_695 = tpu.memref_squeeze %dma_start3A_694 : memref<1x50x64xf32, #tpu.memory_space<hbm>> -> memref<50x64xf32, #tpu.memory_space<hbm>>
      %dma_start3A_696 = arith.constant 300 : i32
      %dma_start3A_697 = arith.constant 0 : i32
      %dma_start3A_698 = tpu.memref_slice %arg7[%dma_start3A_696, %dma_start3A_697] : memref<400x64xf32, #tpu.memory_space<vmem>> -> memref<50x64xf32, #tpu.memory_space<vmem>>
      tpu.enqueue_dma source(%dma_start3A_698 : memref<50x64xf32, #tpu.memory_space<vmem>>) target(%dma_start3A_695 : memref<50x64xf32, #tpu.memory_space<hbm>>) target_semaphore(%arg11 : memref<!tpu.dma_semaphore, #tpu.memory_space<semaphore_mem>>)
      %add3A_699 = arith.constant 7 : i32
      %add3A_700 = arith.addi %add3A_586, %add3A_699 : i32
      %dma_start3A_701 = arith.constant 350 : i32
      %dma_start3A_702 = arith.constant 0 : i32
      %dma_start3A_703 = tpu.memref_slice %arg7[%dma_start3A_701, %dma_start3A_702] : memref<400x64xf32, #tpu.memory_space<vmem>> -> memref<50x64xf32, #tpu.memory_space<vmem>>
      %dma_start3A_704 = arith.constant 0 : i32
      %dma_start3A_705 = arith.constant 0 : i32
      %dma_start3A_706 = tpu.memref_slice %arg4[%add3A_700, %dma_start3A_704, %dma_start3A_705] : memref<16384x50x64xf32, #tpu.memory_space<hbm>> -> memref<1x50x64xf32, #tpu.memory_space<hbm>>
      %dma_start3A_707 = tpu.memref_squeeze %dma_start3A_706 : memref<1x50x64xf32, #tpu.memory_space<hbm>> -> memref<50x64xf32, #tpu.memory_space<hbm>>
      %dma_start3A_708 = arith.constant 0 : i32
      %dma_start3A_709 = arith.constant 0 : i32
      %dma_start3A_710 = tpu.memref_slice %arg4[%add3A_700, %dma_start3A_708, %dma_start3A_709] : memref<16384x50x64xf32, #tpu.memory_space<hbm>> -> memref<1x50x64xf32, #tpu.memory_space<hbm>>
      %dma_start3A_711 = tpu.memref_squeeze %dma_start3A_710 : memref<1x50x64xf32, #tpu.memory_space<hbm>> -> memref<50x64xf32, #tpu.memory_space<hbm>>
      %dma_start3A_712 = arith.constant 350 : i32
      %dma_start3A_713 = arith.constant 0 : i32
      %dma_start3A_714 = tpu.memref_slice %arg7[%dma_start3A_712, %dma_start3A_713] : memref<400x64xf32, #tpu.memory_space<vmem>> -> memref<50x64xf32, #tpu.memory_space<vmem>>
      tpu.enqueue_dma source(%dma_start3A_714 : memref<50x64xf32, #tpu.memory_space<vmem>>) target(%dma_start3A_711 : memref<50x64xf32, #tpu.memory_space<hbm>>) target_semaphore(%arg11 : memref<!tpu.dma_semaphore, #tpu.memory_space<semaphore_mem>>)
      %dma_wait3A_715 = arith.constant 0 : i32
      %dma_wait3A_716 = arith.constant 0 : i32
      %dma_wait3A_717 = tpu.memref_slice %arg2[%dma_wait3A_715, %dma_wait3A_716] : memref<1000000x64xf32, #tpu.memory_space<hbm>> -> memref<400x64xf32, #tpu.memory_space<hbm>>
      %dma_wait3A_718 = arith.constant 0 : i32
      %dma_wait3A_719 = arith.constant 0 : i32
      %dma_wait3A_720 = tpu.memref_slice %arg2[%dma_wait3A_718, %dma_wait3A_719] : memref<1000000x64xf32, #tpu.memory_space<hbm>> -> memref<400x64xf32, #tpu.memory_space<hbm>>
      tpu.wait_dma2 semaphore(%arg11 : memref<!tpu.dma_semaphore, #tpu.memory_space<semaphore_mem>>) src(%dma_wait3A_720 : memref<400x64xf32, #tpu.memory_space<hbm>>) dst(%arg7 : memref<400x64xf32, #tpu.memory_space<vmem>>)
      %add3A_721 = arith.constant 2 : i32
      %add3A_722 = arith.addi %add3A_577, %add3A_721 : i32
      %mul3A_723 = arith.constant 4 : i32
      %mul3A_724 = arith.muli %add3A_722, %mul3A_723 : i32
      %add3A_725 = arith.constant 0 : i32
      %add3A_726 = arith.addi %mul3A_724, %add3A_725 : i32
      %dma_start3A_727 = arith.constant 0 : i32
      %dma_start3A_728 = arith.constant 0 : i32
      %dma_start3A_729 = tpu.memref_slice %arg7[%dma_start3A_727, %dma_start3A_728] : memref<400x64xf32, #tpu.memory_space<vmem>> -> memref<100x64xf32, #tpu.memory_space<vmem>>
      %dma_start3A_730 = arith.constant 0 : i32
      %dma_start3A_731 = tpu.memref_slice %arg5[%add3A_726, %dma_start3A_730] : memref<256x100xi32, #tpu.memory_space<vmem>> -> memref<1x100xi32, #tpu.memory_space<vmem>>
      %dma_start3A_732 = tpu.memref_squeeze %dma_start3A_731 : memref<1x100xi32, #tpu.memory_space<vmem>> -> memref<100xi32, #tpu.memory_space<vmem>>
      %dma_start3A_733 = arith.constant 0 : i32
      %dma_start3A_734 = arith.constant 0 : i32
      %dma_start3A_735 = tpu.memref_slice %arg2[%dma_start3A_733, %dma_start3A_734] : memref<1000000x64xf32, #tpu.memory_space<hbm>> -> memref<1000000x64xf32, #tpu.memory_space<hbm>>
      tpu.enqueue_indirect_dma source(%dma_start3A_735 : memref<1000000x64xf32, #tpu.memory_space<hbm>>) target(%dma_start3A_729 : memref<100x64xf32, #tpu.memory_space<vmem>>) offsets(%dma_start3A_732 : memref<100xi32, #tpu.memory_space<vmem>>) semaphore(%arg9 : memref<!tpu.dma_semaphore, #tpu.memory_space<semaphore_mem>>)
      %mul3A_736 = arith.constant 4 : i32
      %mul3A_737 = arith.muli %add3A_722, %mul3A_736 : i32
      %add3A_738 = arith.constant 1 : i32
      %add3A_739 = arith.addi %mul3A_737, %add3A_738 : i32
      %dma_start3A_740 = arith.constant 100 : i32
      %dma_start3A_741 = arith.constant 0 : i32
      %dma_start3A_742 = tpu.memref_slice %arg7[%dma_start3A_740, %dma_start3A_741] : memref<400x64xf32, #tpu.memory_space<vmem>> -> memref<100x64xf32, #tpu.memory_space<vmem>>
      %dma_start3A_743 = arith.constant 0 : i32
      %dma_start3A_744 = tpu.memref_slice %arg5[%add3A_739, %dma_start3A_743] : memref<256x100xi32, #tpu.memory_space<vmem>> -> memref<1x100xi32, #tpu.memory_space<vmem>>
      %dma_start3A_745 = tpu.memref_squeeze %dma_start3A_744 : memref<1x100xi32, #tpu.memory_space<vmem>> -> memref<100xi32, #tpu.memory_space<vmem>>
      %dma_start3A_746 = arith.constant 0 : i32
      %dma_start3A_747 = arith.constant 0 : i32
      %dma_start3A_748 = tpu.memref_slice %arg2[%dma_start3A_746, %dma_start3A_747] : memref<1000000x64xf32, #tpu.memory_space<hbm>> -> memref<1000000x64xf32, #tpu.memory_space<hbm>>
      tpu.enqueue_indirect_dma source(%dma_start3A_748 : memref<1000000x64xf32, #tpu.memory_space<hbm>>) target(%dma_start3A_742 : memref<100x64xf32, #tpu.memory_space<vmem>>) offsets(%dma_start3A_745 : memref<100xi32, #tpu.memory_space<vmem>>) semaphore(%arg9 : memref<!tpu.dma_semaphore, #tpu.memory_space<semaphore_mem>>)
      %mul3A_749 = arith.constant 4 : i32
      %mul3A_750 = arith.muli %add3A_722, %mul3A_749 : i32
      %add3A_751 = arith.constant 2 : i32
      %add3A_752 = arith.addi %mul3A_750, %add3A_751 : i32
      %dma_start3A_753 = arith.constant 200 : i32
      %dma_start3A_754 = arith.constant 0 : i32
      %dma_start3A_755 = tpu.memref_slice %arg7[%dma_start3A_753, %dma_start3A_754] : memref<400x64xf32, #tpu.memory_space<vmem>> -> memref<100x64xf32, #tpu.memory_space<vmem>>
      %dma_start3A_756 = arith.constant 0 : i32
      %dma_start3A_757 = tpu.memref_slice %arg5[%add3A_752, %dma_start3A_756] : memref<256x100xi32, #tpu.memory_space<vmem>> -> memref<1x100xi32, #tpu.memory_space<vmem>>
      %dma_start3A_758 = tpu.memref_squeeze %dma_start3A_757 : memref<1x100xi32, #tpu.memory_space<vmem>> -> memref<100xi32, #tpu.memory_space<vmem>>
      %dma_start3A_759 = arith.constant 0 : i32
      %dma_start3A_760 = arith.constant 0 : i32
      %dma_start3A_761 = tpu.memref_slice %arg2[%dma_start3A_759, %dma_start3A_760] : memref<1000000x64xf32, #tpu.memory_space<hbm>> -> memref<1000000x64xf32, #tpu.memory_space<hbm>>
      tpu.enqueue_indirect_dma source(%dma_start3A_761 : memref<1000000x64xf32, #tpu.memory_space<hbm>>) target(%dma_start3A_755 : memref<100x64xf32, #tpu.memory_space<vmem>>) offsets(%dma_start3A_758 : memref<100xi32, #tpu.memory_space<vmem>>) semaphore(%arg9 : memref<!tpu.dma_semaphore, #tpu.memory_space<semaphore_mem>>)
      %mul3A_762 = arith.constant 4 : i32
      %mul3A_763 = arith.muli %add3A_722, %mul3A_762 : i32
      %add3A_764 = arith.constant 3 : i32
      %add3A_765 = arith.addi %mul3A_763, %add3A_764 : i32
      %dma_start3A_766 = arith.constant 300 : i32
      %dma_start3A_767 = arith.constant 0 : i32
      %dma_start3A_768 = tpu.memref_slice %arg7[%dma_start3A_766, %dma_start3A_767] : memref<400x64xf32, #tpu.memory_space<vmem>> -> memref<100x64xf32, #tpu.memory_space<vmem>>
      %dma_start3A_769 = arith.constant 0 : i32
      %dma_start3A_770 = tpu.memref_slice %arg5[%add3A_765, %dma_start3A_769] : memref<256x100xi32, #tpu.memory_space<vmem>> -> memref<1x100xi32, #tpu.memory_space<vmem>>
      %dma_start3A_771 = tpu.memref_squeeze %dma_start3A_770 : memref<1x100xi32, #tpu.memory_space<vmem>> -> memref<100xi32, #tpu.memory_space<vmem>>
      %dma_start3A_772 = arith.constant 0 : i32
      %dma_start3A_773 = arith.constant 0 : i32
      %dma_start3A_774 = tpu.memref_slice %arg2[%dma_start3A_772, %dma_start3A_773] : memref<1000000x64xf32, #tpu.memory_space<hbm>> -> memref<1000000x64xf32, #tpu.memory_space<hbm>>
      tpu.enqueue_indirect_dma source(%dma_start3A_774 : memref<1000000x64xf32, #tpu.memory_space<hbm>>) target(%dma_start3A_768 : memref<100x64xf32, #tpu.memory_space<vmem>>) offsets(%dma_start3A_771 : memref<100xi32, #tpu.memory_space<vmem>>) semaphore(%arg9 : memref<!tpu.dma_semaphore, #tpu.memory_space<semaphore_mem>>)
    }
    %scan3A_88 = arith.constant 31 : i32
    %dma_wait3A = arith.constant 0 : i32
    %dma_wait3A_89 = arith.constant 0 : i32
    %dma_wait3A_90 = tpu.memref_slice %arg2[%dma_wait3A, %dma_wait3A_89] : memref<1000000x64xf32, #tpu.memory_space<hbm>> -> memref<400x64xf32, #tpu.memory_space<hbm>>
    %dma_wait3A_91 = arith.constant 0 : i32
    %dma_wait3A_92 = arith.constant 0 : i32
    %dma_wait3A_93 = tpu.memref_slice %arg2[%dma_wait3A_91, %dma_wait3A_92] : memref<1000000x64xf32, #tpu.memory_space<hbm>> -> memref<400x64xf32, #tpu.memory_space<hbm>>
    tpu.wait_dma2 semaphore(%arg8 : memref<!tpu.dma_semaphore, #tpu.memory_space<semaphore_mem>>) src(%dma_wait3A_93 : memref<400x64xf32, #tpu.memory_space<hbm>>) dst(%arg6 : memref<400x64xf32, #tpu.memory_space<vmem>>)
    %add3A_94 = arith.constant 496 : i32
    %add3A_95 = arith.addi %mul3A_2, %add3A_94 : i32
    %add3A_96 = arith.constant 0 : i32
    %add3A_97 = arith.addi %add3A_95, %add3A_96 : i32
    %dma_start3A_98 = arith.constant 0 : i32
    %dma_start3A_99 = arith.constant 0 : i32
    %dma_start3A_100 = tpu.memref_slice %arg6[%dma_start3A_98, %dma_start3A_99] : memref<400x64xf32, #tpu.memory_space<vmem>> -> memref<50x64xf32, #tpu.memory_space<vmem>>
    %dma_start3A_101 = arith.constant 0 : i32
    %dma_start3A_102 = arith.constant 0 : i32
    %dma_start3A_103 = tpu.memref_slice %arg4[%add3A_97, %dma_start3A_101, %dma_start3A_102] : memref<16384x50x64xf32, #tpu.memory_space<hbm>> -> memref<1x50x64xf32, #tpu.memory_space<hbm>>
    %dma_start3A_104 = tpu.memref_squeeze %dma_start3A_103 : memref<1x50x64xf32, #tpu.memory_space<hbm>> -> memref<50x64xf32, #tpu.memory_space<hbm>>
    %dma_start3A_105 = arith.constant 0 : i32
    %dma_start3A_106 = arith.constant 0 : i32
    %dma_start3A_107 = tpu.memref_slice %arg4[%add3A_97, %dma_start3A_105, %dma_start3A_106] : memref<16384x50x64xf32, #tpu.memory_space<hbm>> -> memref<1x50x64xf32, #tpu.memory_space<hbm>>
    %dma_start3A_108 = tpu.memref_squeeze %dma_start3A_107 : memref<1x50x64xf32, #tpu.memory_space<hbm>> -> memref<50x64xf32, #tpu.memory_space<hbm>>
    %dma_start3A_109 = arith.constant 0 : i32
    %dma_start3A_110 = arith.constant 0 : i32
    %dma_start3A_111 = tpu.memref_slice %arg6[%dma_start3A_109, %dma_start3A_110] : memref<400x64xf32, #tpu.memory_space<vmem>> -> memref<50x64xf32, #tpu.memory_space<vmem>>
    tpu.enqueue_dma source(%dma_start3A_111 : memref<50x64xf32, #tpu.memory_space<vmem>>) target(%dma_start3A_108 : memref<50x64xf32, #tpu.memory_space<hbm>>) target_semaphore(%arg10 : memref<!tpu.dma_semaphore, #tpu.memory_space<semaphore_mem>>)
    %add3A_112 = arith.constant 1 : i32
    %add3A_113 = arith.addi %add3A_95, %add3A_112 : i32
    %dma_start3A_114 = arith.constant 50 : i32
    %dma_start3A_115 = arith.constant 0 : i32
    %dma_start3A_116 = tpu.memref_slice %arg6[%dma_start3A_114, %dma_start3A_115] : memref<400x64xf32, #tpu.memory_space<vmem>> -> memref<50x64xf32, #tpu.memory_space<vmem>>
    %dma_start3A_117 = arith.constant 0 : i32
    %dma_start3A_118 = arith.constant 0 : i32
    %dma_start3A_119 = tpu.memref_slice %arg4[%add3A_113, %dma_start3A_117, %dma_start3A_118] : memref<16384x50x64xf32, #tpu.memory_space<hbm>> -> memref<1x50x64xf32, #tpu.memory_space<hbm>>
    %dma_start3A_120 = tpu.memref_squeeze %dma_start3A_119 : memref<1x50x64xf32, #tpu.memory_space<hbm>> -> memref<50x64xf32, #tpu.memory_space<hbm>>
    %dma_start3A_121 = arith.constant 0 : i32
    %dma_start3A_122 = arith.constant 0 : i32
    %dma_start3A_123 = tpu.memref_slice %arg4[%add3A_113, %dma_start3A_121, %dma_start3A_122] : memref<16384x50x64xf32, #tpu.memory_space<hbm>> -> memref<1x50x64xf32, #tpu.memory_space<hbm>>
    %dma_start3A_124 = tpu.memref_squeeze %dma_start3A_123 : memref<1x50x64xf32, #tpu.memory_space<hbm>> -> memref<50x64xf32, #tpu.memory_space<hbm>>
    %dma_start3A_125 = arith.constant 50 : i32
    %dma_start3A_126 = arith.constant 0 : i32
    %dma_start3A_127 = tpu.memref_slice %arg6[%dma_start3A_125, %dma_start3A_126] : memref<400x64xf32, #tpu.memory_space<vmem>> -> memref<50x64xf32, #tpu.memory_space<vmem>>
    tpu.enqueue_dma source(%dma_start3A_127 : memref<50x64xf32, #tpu.memory_space<vmem>>) target(%dma_start3A_124 : memref<50x64xf32, #tpu.memory_space<hbm>>) target_semaphore(%arg10 : memref<!tpu.dma_semaphore, #tpu.memory_space<semaphore_mem>>)
    %add3A_128 = arith.constant 2 : i32
    %add3A_129 = arith.addi %add3A_95, %add3A_128 : i32
    %dma_start3A_130 = arith.constant 100 : i32
    %dma_start3A_131 = arith.constant 0 : i32
    %dma_start3A_132 = tpu.memref_slice %arg6[%dma_start3A_130, %dma_start3A_131] : memref<400x64xf32, #tpu.memory_space<vmem>> -> memref<50x64xf32, #tpu.memory_space<vmem>>
    %dma_start3A_133 = arith.constant 0 : i32
    %dma_start3A_134 = arith.constant 0 : i32
    %dma_start3A_135 = tpu.memref_slice %arg4[%add3A_129, %dma_start3A_133, %dma_start3A_134] : memref<16384x50x64xf32, #tpu.memory_space<hbm>> -> memref<1x50x64xf32, #tpu.memory_space<hbm>>
    %dma_start3A_136 = tpu.memref_squeeze %dma_start3A_135 : memref<1x50x64xf32, #tpu.memory_space<hbm>> -> memref<50x64xf32, #tpu.memory_space<hbm>>
    %dma_start3A_137 = arith.constant 0 : i32
    %dma_start3A_138 = arith.constant 0 : i32
    %dma_start3A_139 = tpu.memref_slice %arg4[%add3A_129, %dma_start3A_137, %dma_start3A_138] : memref<16384x50x64xf32, #tpu.memory_space<hbm>> -> memref<1x50x64xf32, #tpu.memory_space<hbm>>
    %dma_start3A_140 = tpu.memref_squeeze %dma_start3A_139 : memref<1x50x64xf32, #tpu.memory_space<hbm>> -> memref<50x64xf32, #tpu.memory_space<hbm>>
    %dma_start3A_141 = arith.constant 100 : i32
    %dma_start3A_142 = arith.constant 0 : i32
    %dma_start3A_143 = tpu.memref_slice %arg6[%dma_start3A_141, %dma_start3A_142] : memref<400x64xf32, #tpu.memory_space<vmem>> -> memref<50x64xf32, #tpu.memory_space<vmem>>
    tpu.enqueue_dma source(%dma_start3A_143 : memref<50x64xf32, #tpu.memory_space<vmem>>) target(%dma_start3A_140 : memref<50x64xf32, #tpu.memory_space<hbm>>) target_semaphore(%arg10 : memref<!tpu.dma_semaphore, #tpu.memory_space<semaphore_mem>>)
    %add3A_144 = arith.constant 3 : i32
    %add3A_145 = arith.addi %add3A_95, %add3A_144 : i32
    %dma_start3A_146 = arith.constant 150 : i32
    %dma_start3A_147 = arith.constant 0 : i32
    %dma_start3A_148 = tpu.memref_slice %arg6[%dma_start3A_146, %dma_start3A_147] : memref<400x64xf32, #tpu.memory_space<vmem>> -> memref<50x64xf32, #tpu.memory_space<vmem>>
    %dma_start3A_149 = arith.constant 0 : i32
    %dma_start3A_150 = arith.constant 0 : i32
    %dma_start3A_151 = tpu.memref_slice %arg4[%add3A_145, %dma_start3A_149, %dma_start3A_150] : memref<16384x50x64xf32, #tpu.memory_space<hbm>> -> memref<1x50x64xf32, #tpu.memory_space<hbm>>
    %dma_start3A_152 = tpu.memref_squeeze %dma_start3A_151 : memref<1x50x64xf32, #tpu.memory_space<hbm>> -> memref<50x64xf32, #tpu.memory_space<hbm>>
    %dma_start3A_153 = arith.constant 0 : i32
    %dma_start3A_154 = arith.constant 0 : i32
    %dma_start3A_155 = tpu.memref_slice %arg4[%add3A_145, %dma_start3A_153, %dma_start3A_154] : memref<16384x50x64xf32, #tpu.memory_space<hbm>> -> memref<1x50x64xf32, #tpu.memory_space<hbm>>
    %dma_start3A_156 = tpu.memref_squeeze %dma_start3A_155 : memref<1x50x64xf32, #tpu.memory_space<hbm>> -> memref<50x64xf32, #tpu.memory_space<hbm>>
    %dma_start3A_157 = arith.constant 150 : i32
    %dma_start3A_158 = arith.constant 0 : i32
    %dma_start3A_159 = tpu.memref_slice %arg6[%dma_start3A_157, %dma_start3A_158] : memref<400x64xf32, #tpu.memory_space<vmem>> -> memref<50x64xf32, #tpu.memory_space<vmem>>
    tpu.enqueue_dma source(%dma_start3A_159 : memref<50x64xf32, #tpu.memory_space<vmem>>) target(%dma_start3A_156 : memref<50x64xf32, #tpu.memory_space<hbm>>) target_semaphore(%arg10 : memref<!tpu.dma_semaphore, #tpu.memory_space<semaphore_mem>>)
    %add3A_160 = arith.constant 4 : i32
    %add3A_161 = arith.addi %add3A_95, %add3A_160 : i32
    %dma_start3A_162 = arith.constant 200 : i32
    %dma_start3A_163 = arith.constant 0 : i32
    %dma_start3A_164 = tpu.memref_slice %arg6[%dma_start3A_162, %dma_start3A_163] : memref<400x64xf32, #tpu.memory_space<vmem>> -> memref<50x64xf32, #tpu.memory_space<vmem>>
    %dma_start3A_165 = arith.constant 0 : i32
    %dma_start3A_166 = arith.constant 0 : i32
    %dma_start3A_167 = tpu.memref_slice %arg4[%add3A_161, %dma_start3A_165, %dma_start3A_166] : memref<16384x50x64xf32, #tpu.memory_space<hbm>> -> memref<1x50x64xf32, #tpu.memory_space<hbm>>
    %dma_start3A_168 = tpu.memref_squeeze %dma_start3A_167 : memref<1x50x64xf32, #tpu.memory_space<hbm>> -> memref<50x64xf32, #tpu.memory_space<hbm>>
    %dma_start3A_169 = arith.constant 0 : i32
    %dma_start3A_170 = arith.constant 0 : i32
    %dma_start3A_171 = tpu.memref_slice %arg4[%add3A_161, %dma_start3A_169, %dma_start3A_170] : memref<16384x50x64xf32, #tpu.memory_space<hbm>> -> memref<1x50x64xf32, #tpu.memory_space<hbm>>
    %dma_start3A_172 = tpu.memref_squeeze %dma_start3A_171 : memref<1x50x64xf32, #tpu.memory_space<hbm>> -> memref<50x64xf32, #tpu.memory_space<hbm>>
    %dma_start3A_173 = arith.constant 200 : i32
    %dma_start3A_174 = arith.constant 0 : i32
    %dma_start3A_175 = tpu.memref_slice %arg6[%dma_start3A_173, %dma_start3A_174] : memref<400x64xf32, #tpu.memory_space<vmem>> -> memref<50x64xf32, #tpu.memory_space<vmem>>
    tpu.enqueue_dma source(%dma_start3A_175 : memref<50x64xf32, #tpu.memory_space<vmem>>) target(%dma_start3A_172 : memref<50x64xf32, #tpu.memory_space<hbm>>) target_semaphore(%arg10 : memref<!tpu.dma_semaphore, #tpu.memory_space<semaphore_mem>>)
    %add3A_176 = arith.constant 5 : i32
    %add3A_177 = arith.addi %add3A_95, %add3A_176 : i32
    %dma_start3A_178 = arith.constant 250 : i32
    %dma_start3A_179 = arith.constant 0 : i32
    %dma_start3A_180 = tpu.memref_slice %arg6[%dma_start3A_178, %dma_start3A_179] : memref<400x64xf32, #tpu.memory_space<vmem>> -> memref<50x64xf32, #tpu.memory_space<vmem>>
    %dma_start3A_181 = arith.constant 0 : i32
    %dma_start3A_182 = arith.constant 0 : i32
    %dma_start3A_183 = tpu.memref_slice %arg4[%add3A_177, %dma_start3A_181, %dma_start3A_182] : memref<16384x50x64xf32, #tpu.memory_space<hbm>> -> memref<1x50x64xf32, #tpu.memory_space<hbm>>
    %dma_start3A_184 = tpu.memref_squeeze %dma_start3A_183 : memref<1x50x64xf32, #tpu.memory_space<hbm>> -> memref<50x64xf32, #tpu.memory_space<hbm>>
    %dma_start3A_185 = arith.constant 0 : i32
    %dma_start3A_186 = arith.constant 0 : i32
    %dma_start3A_187 = tpu.memref_slice %arg4[%add3A_177, %dma_start3A_185, %dma_start3A_186] : memref<16384x50x64xf32, #tpu.memory_space<hbm>> -> memref<1x50x64xf32, #tpu.memory_space<hbm>>
    %dma_start3A_188 = tpu.memref_squeeze %dma_start3A_187 : memref<1x50x64xf32, #tpu.memory_space<hbm>> -> memref<50x64xf32, #tpu.memory_space<hbm>>
    %dma_start3A_189 = arith.constant 250 : i32
    %dma_start3A_190 = arith.constant 0 : i32
    %dma_start3A_191 = tpu.memref_slice %arg6[%dma_start3A_189, %dma_start3A_190] : memref<400x64xf32, #tpu.memory_space<vmem>> -> memref<50x64xf32, #tpu.memory_space<vmem>>
    tpu.enqueue_dma source(%dma_start3A_191 : memref<50x64xf32, #tpu.memory_space<vmem>>) target(%dma_start3A_188 : memref<50x64xf32, #tpu.memory_space<hbm>>) target_semaphore(%arg10 : memref<!tpu.dma_semaphore, #tpu.memory_space<semaphore_mem>>)
    %add3A_192 = arith.constant 6 : i32
    %add3A_193 = arith.addi %add3A_95, %add3A_192 : i32
    %dma_start3A_194 = arith.constant 300 : i32
    %dma_start3A_195 = arith.constant 0 : i32
    %dma_start3A_196 = tpu.memref_slice %arg6[%dma_start3A_194, %dma_start3A_195] : memref<400x64xf32, #tpu.memory_space<vmem>> -> memref<50x64xf32, #tpu.memory_space<vmem>>
    %dma_start3A_197 = arith.constant 0 : i32
    %dma_start3A_198 = arith.constant 0 : i32
    %dma_start3A_199 = tpu.memref_slice %arg4[%add3A_193, %dma_start3A_197, %dma_start3A_198] : memref<16384x50x64xf32, #tpu.memory_space<hbm>> -> memref<1x50x64xf32, #tpu.memory_space<hbm>>
    %dma_start3A_200 = tpu.memref_squeeze %dma_start3A_199 : memref<1x50x64xf32, #tpu.memory_space<hbm>> -> memref<50x64xf32, #tpu.memory_space<hbm>>
    %dma_start3A_201 = arith.constant 0 : i32
    %dma_start3A_202 = arith.constant 0 : i32
    %dma_start3A_203 = tpu.memref_slice %arg4[%add3A_193, %dma_start3A_201, %dma_start3A_202] : memref<16384x50x64xf32, #tpu.memory_space<hbm>> -> memref<1x50x64xf32, #tpu.memory_space<hbm>>
    %dma_start3A_204 = tpu.memref_squeeze %dma_start3A_203 : memref<1x50x64xf32, #tpu.memory_space<hbm>> -> memref<50x64xf32, #tpu.memory_space<hbm>>
    %dma_start3A_205 = arith.constant 300 : i32
    %dma_start3A_206 = arith.constant 0 : i32
    %dma_start3A_207 = tpu.memref_slice %arg6[%dma_start3A_205, %dma_start3A_206] : memref<400x64xf32, #tpu.memory_space<vmem>> -> memref<50x64xf32, #tpu.memory_space<vmem>>
    tpu.enqueue_dma source(%dma_start3A_207 : memref<50x64xf32, #tpu.memory_space<vmem>>) target(%dma_start3A_204 : memref<50x64xf32, #tpu.memory_space<hbm>>) target_semaphore(%arg10 : memref<!tpu.dma_semaphore, #tpu.memory_space<semaphore_mem>>)
    %add3A_208 = arith.constant 7 : i32
    %add3A_209 = arith.addi %add3A_95, %add3A_208 : i32
    %dma_start3A_210 = arith.constant 350 : i32
    %dma_start3A_211 = arith.constant 0 : i32
    %dma_start3A_212 = tpu.memref_slice %arg6[%dma_start3A_210, %dma_start3A_211] : memref<400x64xf32, #tpu.memory_space<vmem>> -> memref<50x64xf32, #tpu.memory_space<vmem>>
    %dma_start3A_213 = arith.constant 0 : i32
    %dma_start3A_214 = arith.constant 0 : i32
    %dma_start3A_215 = tpu.memref_slice %arg4[%add3A_209, %dma_start3A_213, %dma_start3A_214] : memref<16384x50x64xf32, #tpu.memory_space<hbm>> -> memref<1x50x64xf32, #tpu.memory_space<hbm>>
    %dma_start3A_216 = tpu.memref_squeeze %dma_start3A_215 : memref<1x50x64xf32, #tpu.memory_space<hbm>> -> memref<50x64xf32, #tpu.memory_space<hbm>>
    %dma_start3A_217 = arith.constant 0 : i32
    %dma_start3A_218 = arith.constant 0 : i32
    %dma_start3A_219 = tpu.memref_slice %arg4[%add3A_209, %dma_start3A_217, %dma_start3A_218] : memref<16384x50x64xf32, #tpu.memory_space<hbm>> -> memref<1x50x64xf32, #tpu.memory_space<hbm>>
    %dma_start3A_220 = tpu.memref_squeeze %dma_start3A_219 : memref<1x50x64xf32, #tpu.memory_space<hbm>> -> memref<50x64xf32, #tpu.memory_space<hbm>>
    %dma_start3A_221 = arith.constant 350 : i32
    %dma_start3A_222 = arith.constant 0 : i32
    %dma_start3A_223 = tpu.memref_slice %arg6[%dma_start3A_221, %dma_start3A_222] : memref<400x64xf32, #tpu.memory_space<vmem>> -> memref<50x64xf32, #tpu.memory_space<vmem>>
    tpu.enqueue_dma source(%dma_start3A_223 : memref<50x64xf32, #tpu.memory_space<vmem>>) target(%dma_start3A_220 : memref<50x64xf32, #tpu.memory_space<hbm>>) target_semaphore(%arg10 : memref<!tpu.dma_semaphore, #tpu.memory_space<semaphore_mem>>)
    %dma_wait3A_224 = arith.constant 0 : i32
    %dma_wait3A_225 = arith.constant 0 : i32
    %dma_wait3A_226 = tpu.memref_slice %arg2[%dma_wait3A_224, %dma_wait3A_225] : memref<1000000x64xf32, #tpu.memory_space<hbm>> -> memref<400x64xf32, #tpu.memory_space<hbm>>
    %dma_wait3A_227 = arith.constant 0 : i32
    %dma_wait3A_228 = arith.constant 0 : i32
    %dma_wait3A_229 = tpu.memref_slice %arg2[%dma_wait3A_227, %dma_wait3A_228] : memref<1000000x64xf32, #tpu.memory_space<hbm>> -> memref<400x64xf32, #tpu.memory_space<hbm>>
    tpu.wait_dma2 semaphore(%arg10 : memref<!tpu.dma_semaphore, #tpu.memory_space<semaphore_mem>>) src(%dma_wait3A_229 : memref<400x64xf32, #tpu.memory_space<hbm>>) dst(%arg6 : memref<400x64xf32, #tpu.memory_space<vmem>>)
    %dma_wait3A_230 = arith.constant 0 : i32
    %dma_wait3A_231 = arith.constant 0 : i32
    %dma_wait3A_232 = tpu.memref_slice %arg2[%dma_wait3A_230, %dma_wait3A_231] : memref<1000000x64xf32, #tpu.memory_space<hbm>> -> memref<400x64xf32, #tpu.memory_space<hbm>>
    %dma_wait3A_233 = arith.constant 0 : i32
    %dma_wait3A_234 = arith.constant 0 : i32
    %dma_wait3A_235 = tpu.memref_slice %arg2[%dma_wait3A_233, %dma_wait3A_234] : memref<1000000x64xf32, #tpu.memory_space<hbm>> -> memref<400x64xf32, #tpu.memory_space<hbm>>
    tpu.wait_dma2 semaphore(%arg9 : memref<!tpu.dma_semaphore, #tpu.memory_space<semaphore_mem>>) src(%dma_wait3A_235 : memref<400x64xf32, #tpu.memory_space<hbm>>) dst(%arg7 : memref<400x64xf32, #tpu.memory_space<vmem>>)
    %add3A_236 = arith.constant 504 : i32
    %add3A_237 = arith.addi %mul3A_2, %add3A_236 : i32
    %add3A_238 = arith.constant 0 : i32
    %add3A_239 = arith.addi %add3A_237, %add3A_238 : i32
    %dma_start3A_240 = arith.constant 0 : i32
    %dma_start3A_241 = arith.constant 0 : i32
    %dma_start3A_242 = tpu.memref_slice %arg7[%dma_start3A_240, %dma_start3A_241] : memref<400x64xf32, #tpu.memory_space<vmem>> -> memref<50x64xf32, #tpu.memory_space<vmem>>
    %dma_start3A_243 = arith.constant 0 : i32
    %dma_start3A_244 = arith.constant 0 : i32
    %dma_start3A_245 = tpu.memref_slice %arg4[%add3A_239, %dma_start3A_243, %dma_start3A_244] : memref<16384x50x64xf32, #tpu.memory_space<hbm>> -> memref<1x50x64xf32, #tpu.memory_space<hbm>>
    %dma_start3A_246 = tpu.memref_squeeze %dma_start3A_245 : memref<1x50x64xf32, #tpu.memory_space<hbm>> -> memref<50x64xf32, #tpu.memory_space<hbm>>
    %dma_start3A_247 = arith.constant 0 : i32
    %dma_start3A_248 = arith.constant 0 : i32
    %dma_start3A_249 = tpu.memref_slice %arg4[%add3A_239, %dma_start3A_247, %dma_start3A_248] : memref<16384x50x64xf32, #tpu.memory_space<hbm>> -> memref<1x50x64xf32, #tpu.memory_space<hbm>>
    %dma_start3A_250 = tpu.memref_squeeze %dma_start3A_249 : memref<1x50x64xf32, #tpu.memory_space<hbm>> -> memref<50x64xf32, #tpu.memory_space<hbm>>
    %dma_start3A_251 = arith.constant 0 : i32
    %dma_start3A_252 = arith.constant 0 : i32
    %dma_start3A_253 = tpu.memref_slice %arg7[%dma_start3A_251, %dma_start3A_252] : memref<400x64xf32, #tpu.memory_space<vmem>> -> memref<50x64xf32, #tpu.memory_space<vmem>>
    tpu.enqueue_dma source(%dma_start3A_253 : memref<50x64xf32, #tpu.memory_space<vmem>>) target(%dma_start3A_250 : memref<50x64xf32, #tpu.memory_space<hbm>>) target_semaphore(%arg11 : memref<!tpu.dma_semaphore, #tpu.memory_space<semaphore_mem>>)
    %add3A_254 = arith.constant 1 : i32
    %add3A_255 = arith.addi %add3A_237, %add3A_254 : i32
    %dma_start3A_256 = arith.constant 50 : i32
    %dma_start3A_257 = arith.constant 0 : i32
    %dma_start3A_258 = tpu.memref_slice %arg7[%dma_start3A_256, %dma_start3A_257] : memref<400x64xf32, #tpu.memory_space<vmem>> -> memref<50x64xf32, #tpu.memory_space<vmem>>
    %dma_start3A_259 = arith.constant 0 : i32
    %dma_start3A_260 = arith.constant 0 : i32
    %dma_start3A_261 = tpu.memref_slice %arg4[%add3A_255, %dma_start3A_259, %dma_start3A_260] : memref<16384x50x64xf32, #tpu.memory_space<hbm>> -> memref<1x50x64xf32, #tpu.memory_space<hbm>>
    %dma_start3A_262 = tpu.memref_squeeze %dma_start3A_261 : memref<1x50x64xf32, #tpu.memory_space<hbm>> -> memref<50x64xf32, #tpu.memory_space<hbm>>
    %dma_start3A_263 = arith.constant 0 : i32
    %dma_start3A_264 = arith.constant 0 : i32
    %dma_start3A_265 = tpu.memref_slice %arg4[%add3A_255, %dma_start3A_263, %dma_start3A_264] : memref<16384x50x64xf32, #tpu.memory_space<hbm>> -> memref<1x50x64xf32, #tpu.memory_space<hbm>>
    %dma_start3A_266 = tpu.memref_squeeze %dma_start3A_265 : memref<1x50x64xf32, #tpu.memory_space<hbm>> -> memref<50x64xf32, #tpu.memory_space<hbm>>
    %dma_start3A_267 = arith.constant 50 : i32
    %dma_start3A_268 = arith.constant 0 : i32
    %dma_start3A_269 = tpu.memref_slice %arg7[%dma_start3A_267, %dma_start3A_268] : memref<400x64xf32, #tpu.memory_space<vmem>> -> memref<50x64xf32, #tpu.memory_space<vmem>>
    tpu.enqueue_dma source(%dma_start3A_269 : memref<50x64xf32, #tpu.memory_space<vmem>>) target(%dma_start3A_266 : memref<50x64xf32, #tpu.memory_space<hbm>>) target_semaphore(%arg11 : memref<!tpu.dma_semaphore, #tpu.memory_space<semaphore_mem>>)
    %add3A_270 = arith.constant 2 : i32
    %add3A_271 = arith.addi %add3A_237, %add3A_270 : i32
    %dma_start3A_272 = arith.constant 100 : i32
    %dma_start3A_273 = arith.constant 0 : i32
    %dma_start3A_274 = tpu.memref_slice %arg7[%dma_start3A_272, %dma_start3A_273] : memref<400x64xf32, #tpu.memory_space<vmem>> -> memref<50x64xf32, #tpu.memory_space<vmem>>
    %dma_start3A_275 = arith.constant 0 : i32
    %dma_start3A_276 = arith.constant 0 : i32
    %dma_start3A_277 = tpu.memref_slice %arg4[%add3A_271, %dma_start3A_275, %dma_start3A_276] : memref<16384x50x64xf32, #tpu.memory_space<hbm>> -> memref<1x50x64xf32, #tpu.memory_space<hbm>>
    %dma_start3A_278 = tpu.memref_squeeze %dma_start3A_277 : memref<1x50x64xf32, #tpu.memory_space<hbm>> -> memref<50x64xf32, #tpu.memory_space<hbm>>
    %dma_start3A_279 = arith.constant 0 : i32
    %dma_start3A_280 = arith.constant 0 : i32
    %dma_start3A_281 = tpu.memref_slice %arg4[%add3A_271, %dma_start3A_279, %dma_start3A_280] : memref<16384x50x64xf32, #tpu.memory_space<hbm>> -> memref<1x50x64xf32, #tpu.memory_space<hbm>>
    %dma_start3A_282 = tpu.memref_squeeze %dma_start3A_281 : memref<1x50x64xf32, #tpu.memory_space<hbm>> -> memref<50x64xf32, #tpu.memory_space<hbm>>
    %dma_start3A_283 = arith.constant 100 : i32
    %dma_start3A_284 = arith.constant 0 : i32
    %dma_start3A_285 = tpu.memref_slice %arg7[%dma_start3A_283, %dma_start3A_284] : memref<400x64xf32, #tpu.memory_space<vmem>> -> memref<50x64xf32, #tpu.memory_space<vmem>>
    tpu.enqueue_dma source(%dma_start3A_285 : memref<50x64xf32, #tpu.memory_space<vmem>>) target(%dma_start3A_282 : memref<50x64xf32, #tpu.memory_space<hbm>>) target_semaphore(%arg11 : memref<!tpu.dma_semaphore, #tpu.memory_space<semaphore_mem>>)
    %add3A_286 = arith.constant 3 : i32
    %add3A_287 = arith.addi %add3A_237, %add3A_286 : i32
    %dma_start3A_288 = arith.constant 150 : i32
    %dma_start3A_289 = arith.constant 0 : i32
    %dma_start3A_290 = tpu.memref_slice %arg7[%dma_start3A_288, %dma_start3A_289] : memref<400x64xf32, #tpu.memory_space<vmem>> -> memref<50x64xf32, #tpu.memory_space<vmem>>
    %dma_start3A_291 = arith.constant 0 : i32
    %dma_start3A_292 = arith.constant 0 : i32
    %dma_start3A_293 = tpu.memref_slice %arg4[%add3A_287, %dma_start3A_291, %dma_start3A_292] : memref<16384x50x64xf32, #tpu.memory_space<hbm>> -> memref<1x50x64xf32, #tpu.memory_space<hbm>>
    %dma_start3A_294 = tpu.memref_squeeze %dma_start3A_293 : memref<1x50x64xf32, #tpu.memory_space<hbm>> -> memref<50x64xf32, #tpu.memory_space<hbm>>
    %dma_start3A_295 = arith.constant 0 : i32
    %dma_start3A_296 = arith.constant 0 : i32
    %dma_start3A_297 = tpu.memref_slice %arg4[%add3A_287, %dma_start3A_295, %dma_start3A_296] : memref<16384x50x64xf32, #tpu.memory_space<hbm>> -> memref<1x50x64xf32, #tpu.memory_space<hbm>>
    %dma_start3A_298 = tpu.memref_squeeze %dma_start3A_297 : memref<1x50x64xf32, #tpu.memory_space<hbm>> -> memref<50x64xf32, #tpu.memory_space<hbm>>
    %dma_start3A_299 = arith.constant 150 : i32
    %dma_start3A_300 = arith.constant 0 : i32
    %dma_start3A_301 = tpu.memref_slice %arg7[%dma_start3A_299, %dma_start3A_300] : memref<400x64xf32, #tpu.memory_space<vmem>> -> memref<50x64xf32, #tpu.memory_space<vmem>>
    tpu.enqueue_dma source(%dma_start3A_301 : memref<50x64xf32, #tpu.memory_space<vmem>>) target(%dma_start3A_298 : memref<50x64xf32, #tpu.memory_space<hbm>>) target_semaphore(%arg11 : memref<!tpu.dma_semaphore, #tpu.memory_space<semaphore_mem>>)
    %add3A_302 = arith.constant 4 : i32
    %add3A_303 = arith.addi %add3A_237, %add3A_302 : i32
    %dma_start3A_304 = arith.constant 200 : i32
    %dma_start3A_305 = arith.constant 0 : i32
    %dma_start3A_306 = tpu.memref_slice %arg7[%dma_start3A_304, %dma_start3A_305] : memref<400x64xf32, #tpu.memory_space<vmem>> -> memref<50x64xf32, #tpu.memory_space<vmem>>
    %dma_start3A_307 = arith.constant 0 : i32
    %dma_start3A_308 = arith.constant 0 : i32
    %dma_start3A_309 = tpu.memref_slice %arg4[%add3A_303, %dma_start3A_307, %dma_start3A_308] : memref<16384x50x64xf32, #tpu.memory_space<hbm>> -> memref<1x50x64xf32, #tpu.memory_space<hbm>>
    %dma_start3A_310 = tpu.memref_squeeze %dma_start3A_309 : memref<1x50x64xf32, #tpu.memory_space<hbm>> -> memref<50x64xf32, #tpu.memory_space<hbm>>
    %dma_start3A_311 = arith.constant 0 : i32
    %dma_start3A_312 = arith.constant 0 : i32
    %dma_start3A_313 = tpu.memref_slice %arg4[%add3A_303, %dma_start3A_311, %dma_start3A_312] : memref<16384x50x64xf32, #tpu.memory_space<hbm>> -> memref<1x50x64xf32, #tpu.memory_space<hbm>>
    %dma_start3A_314 = tpu.memref_squeeze %dma_start3A_313 : memref<1x50x64xf32, #tpu.memory_space<hbm>> -> memref<50x64xf32, #tpu.memory_space<hbm>>
    %dma_start3A_315 = arith.constant 200 : i32
    %dma_start3A_316 = arith.constant 0 : i32
    %dma_start3A_317 = tpu.memref_slice %arg7[%dma_start3A_315, %dma_start3A_316] : memref<400x64xf32, #tpu.memory_space<vmem>> -> memref<50x64xf32, #tpu.memory_space<vmem>>
    tpu.enqueue_dma source(%dma_start3A_317 : memref<50x64xf32, #tpu.memory_space<vmem>>) target(%dma_start3A_314 : memref<50x64xf32, #tpu.memory_space<hbm>>) target_semaphore(%arg11 : memref<!tpu.dma_semaphore, #tpu.memory_space<semaphore_mem>>)
    %add3A_318 = arith.constant 5 : i32
    %add3A_319 = arith.addi %add3A_237, %add3A_318 : i32
    %dma_start3A_320 = arith.constant 250 : i32
    %dma_start3A_321 = arith.constant 0 : i32
    %dma_start3A_322 = tpu.memref_slice %arg7[%dma_start3A_320, %dma_start3A_321] : memref<400x64xf32, #tpu.memory_space<vmem>> -> memref<50x64xf32, #tpu.memory_space<vmem>>
    %dma_start3A_323 = arith.constant 0 : i32
    %dma_start3A_324 = arith.constant 0 : i32
    %dma_start3A_325 = tpu.memref_slice %arg4[%add3A_319, %dma_start3A_323, %dma_start3A_324] : memref<16384x50x64xf32, #tpu.memory_space<hbm>> -> memref<1x50x64xf32, #tpu.memory_space<hbm>>
    %dma_start3A_326 = tpu.memref_squeeze %dma_start3A_325 : memref<1x50x64xf32, #tpu.memory_space<hbm>> -> memref<50x64xf32, #tpu.memory_space<hbm>>
    %dma_start3A_327 = arith.constant 0 : i32
    %dma_start3A_328 = arith.constant 0 : i32
    %dma_start3A_329 = tpu.memref_slice %arg4[%add3A_319, %dma_start3A_327, %dma_start3A_328] : memref<16384x50x64xf32, #tpu.memory_space<hbm>> -> memref<1x50x64xf32, #tpu.memory_space<hbm>>
    %dma_start3A_330 = tpu.memref_squeeze %dma_start3A_329 : memref<1x50x64xf32, #tpu.memory_space<hbm>> -> memref<50x64xf32, #tpu.memory_space<hbm>>
    %dma_start3A_331 = arith.constant 250 : i32
    %dma_start3A_332 = arith.constant 0 : i32
    %dma_start3A_333 = tpu.memref_slice %arg7[%dma_start3A_331, %dma_start3A_332] : memref<400x64xf32, #tpu.memory_space<vmem>> -> memref<50x64xf32, #tpu.memory_space<vmem>>
    tpu.enqueue_dma source(%dma_start3A_333 : memref<50x64xf32, #tpu.memory_space<vmem>>) target(%dma_start3A_330 : memref<50x64xf32, #tpu.memory_space<hbm>>) target_semaphore(%arg11 : memref<!tpu.dma_semaphore, #tpu.memory_space<semaphore_mem>>)
    %add3A_334 = arith.constant 6 : i32
    %add3A_335 = arith.addi %add3A_237, %add3A_334 : i32
    %dma_start3A_336 = arith.constant 300 : i32
    %dma_start3A_337 = arith.constant 0 : i32
    %dma_start3A_338 = tpu.memref_slice %arg7[%dma_start3A_336, %dma_start3A_337] : memref<400x64xf32, #tpu.memory_space<vmem>> -> memref<50x64xf32, #tpu.memory_space<vmem>>
    %dma_start3A_339 = arith.constant 0 : i32
    %dma_start3A_340 = arith.constant 0 : i32
    %dma_start3A_341 = tpu.memref_slice %arg4[%add3A_335, %dma_start3A_339, %dma_start3A_340] : memref<16384x50x64xf32, #tpu.memory_space<hbm>> -> memref<1x50x64xf32, #tpu.memory_space<hbm>>
    %dma_start3A_342 = tpu.memref_squeeze %dma_start3A_341 : memref<1x50x64xf32, #tpu.memory_space<hbm>> -> memref<50x64xf32, #tpu.memory_space<hbm>>
    %dma_start3A_343 = arith.constant 0 : i32
    %dma_start3A_344 = arith.constant 0 : i32
    %dma_start3A_345 = tpu.memref_slice %arg4[%add3A_335, %dma_start3A_343, %dma_start3A_344] : memref<16384x50x64xf32, #tpu.memory_space<hbm>> -> memref<1x50x64xf32, #tpu.memory_space<hbm>>
    %dma_start3A_346 = tpu.memref_squeeze %dma_start3A_345 : memref<1x50x64xf32, #tpu.memory_space<hbm>> -> memref<50x64xf32, #tpu.memory_space<hbm>>
    %dma_start3A_347 = arith.constant 300 : i32
    %dma_start3A_348 = arith.constant 0 : i32
    %dma_start3A_349 = tpu.memref_slice %arg7[%dma_start3A_347, %dma_start3A_348] : memref<400x64xf32, #tpu.memory_space<vmem>> -> memref<50x64xf32, #tpu.memory_space<vmem>>
    tpu.enqueue_dma source(%dma_start3A_349 : memref<50x64xf32, #tpu.memory_space<vmem>>) target(%dma_start3A_346 : memref<50x64xf32, #tpu.memory_space<hbm>>) target_semaphore(%arg11 : memref<!tpu.dma_semaphore, #tpu.memory_space<semaphore_mem>>)
    %add3A_350 = arith.constant 7 : i32
    %add3A_351 = arith.addi %add3A_237, %add3A_350 : i32
    %dma_start3A_352 = arith.constant 350 : i32
    %dma_start3A_353 = arith.constant 0 : i32
    %dma_start3A_354 = tpu.memref_slice %arg7[%dma_start3A_352, %dma_start3A_353] : memref<400x64xf32, #tpu.memory_space<vmem>> -> memref<50x64xf32, #tpu.memory_space<vmem>>
    %dma_start3A_355 = arith.constant 0 : i32
    %dma_start3A_356 = arith.constant 0 : i32
    %dma_start3A_357 = tpu.memref_slice %arg4[%add3A_351, %dma_start3A_355, %dma_start3A_356] : memref<16384x50x64xf32, #tpu.memory_space<hbm>> -> memref<1x50x64xf32, #tpu.memory_space<hbm>>
    %dma_start3A_358 = tpu.memref_squeeze %dma_start3A_357 : memref<1x50x64xf32, #tpu.memory_space<hbm>> -> memref<50x64xf32, #tpu.memory_space<hbm>>
    %dma_start3A_359 = arith.constant 0 : i32
    %dma_start3A_360 = arith.constant 0 : i32
    %dma_start3A_361 = tpu.memref_slice %arg4[%add3A_351, %dma_start3A_359, %dma_start3A_360] : memref<16384x50x64xf32, #tpu.memory_space<hbm>> -> memref<1x50x64xf32, #tpu.memory_space<hbm>>
    %dma_start3A_362 = tpu.memref_squeeze %dma_start3A_361 : memref<1x50x64xf32, #tpu.memory_space<hbm>> -> memref<50x64xf32, #tpu.memory_space<hbm>>
    %dma_start3A_363 = arith.constant 350 : i32
    %dma_start3A_364 = arith.constant 0 : i32
    %dma_start3A_365 = tpu.memref_slice %arg7[%dma_start3A_363, %dma_start3A_364] : memref<400x64xf32, #tpu.memory_space<vmem>> -> memref<50x64xf32, #tpu.memory_space<vmem>>
    tpu.enqueue_dma source(%dma_start3A_365 : memref<50x64xf32, #tpu.memory_space<vmem>>) target(%dma_start3A_362 : memref<50x64xf32, #tpu.memory_space<hbm>>) target_semaphore(%arg11 : memref<!tpu.dma_semaphore, #tpu.memory_space<semaphore_mem>>)
    %dma_wait3A_366 = arith.constant 0 : i32
    %dma_wait3A_367 = arith.constant 0 : i32
    %dma_wait3A_368 = tpu.memref_slice %arg2[%dma_wait3A_366, %dma_wait3A_367] : memref<1000000x64xf32, #tpu.memory_space<hbm>> -> memref<400x64xf32, #tpu.memory_space<hbm>>
    %dma_wait3A_369 = arith.constant 0 : i32
    %dma_wait3A_370 = arith.constant 0 : i32
    %dma_wait3A_371 = tpu.memref_slice %arg2[%dma_wait3A_369, %dma_wait3A_370] : memref<1000000x64xf32, #tpu.memory_space<hbm>> -> memref<400x64xf32, #tpu.memory_space<hbm>>
    tpu.wait_dma2 semaphore(%arg11 : memref<!tpu.dma_semaphore, #tpu.memory_space<semaphore_mem>>) src(%dma_wait3A_371 : memref<400x64xf32, #tpu.memory_space<hbm>>) dst(%arg7 : memref<400x64xf32, #tpu.memory_space<vmem>>)
    return
  }
}

</mosaic_0001>

<sc_bundles>
// kernel: kernel.3.cloned.1.call-start
scs
__scs_entry_jumppad:
0x0: {  	(pc) =	sbr.rel $0x88, $3  }
0x1: {  	(tag) =	ssettag $0x0;
	lr =	simm.s32 $0x1  }
0x2: {  	[smem:$0x3F9F] =	sst lr;
	_ =	strace $0xD0000000  }
0x3: {  	_ = 	snop  }
0x4: {  	_ = 	snop  }
0x5: {  	_ = 	snop  }
0x6: {  	_ = 	snop  }
0x7: {  	_ = 	snop  }
__scs_overlays_trampoline_lowered:
0x8: {  	[smem:$0x3FAE] =	sst s0  }
0x9: {  	[smem:$0x3FAF] =	sst s1  }
0xa: {  	[smem:$0x3FB0] =	sst s2  }
0xb: {  	[smem:$0x3FB1] =	sst s3  }
0xc: {  	[smem:$0x3FB2] =	sst s4  }
0xd: {  	[smem:$0x3FB3] =	sst s5  }
0xe: {  	[smem:$0x3FB4] =	sst s6  }
0xf: {  	[smem:$0x3FB5] =	sst s7  }
0x10: {  	[smem:$0x3FB6] =	sst s8  }
0x11: {  	[smem:$0x3FB7] =	sst s9;
	s0 =	simm.s32 @!p0 $0x0  }
0x12: {  	s1 =	sld [smem:$0x3F9D];
	s0 =	simm.s32 @p0 $0x1  }
0x13: {  	[smem:$0x3FB8] =	sst s0;
	s0 =	simm.s32 @!p1 $0x0  }
0x14: {  	s2 =	sld [smem:$0x3F9C];
	s0 =	simm.s32 @p1 $0x1  }
0x15: {  	[smem:$0x3FB9] =	sst s0;
	s0 =	simm.s32 @!p2 $0x0  }
0x16: {  	s3 =	sld [smem:$0x3FDB];
	s0 =	simm.s32 @p2 $0x1  }
0x17: {  	s4 =	simm.s32 $0x1BF5;
	[smem:$0x3FBB] =	sst s0  }
0x18: {  	s0 =	sld [smem:$0x3F9E];
	_ =	swait.ge [sflag:s4], $0x0  }
0x19: {  	s7 =	sld [smem:$0x3F9F]  }
0x1a: {  	s8 =	sadd.s32 $0xFFFFE003, lr  }
0x1b: {  	s9 =	sadd.s32 $0xFFFFFEF7, lr;
	s5 =	simm.s32 $0xFFFFFFFF;
	p2 =	slt.u32 s8, $0xFFFFF086  }
0x1c: {  	p1 =	slt.u32 s9, $0xF7A;
	s5 =	simm.s32 @!p2 $0x0  }
0x1d: {  	s5 =	simm.s32 @p1 $0x1;
	p0 =	seq.s32 s7, s2  }
0x1e: {  	s7 =	smul.u32 @!p0 $0xF7A, s2;
	p2 =	seq.s32 @!p0 s5, $0x0  }
0x1f: {  	s9 =	smul.u32 $0xF7A, s1;
	s8 =	simm.s32 @!p0 $0x1BF5;
	p2 =	por !p2, p0  }
0x20: {  	[sflag:s8] =	ssyncset.s32 @!p0 $0xFFFFF086;
	s6 =	sadd.s32 @!p0 s3, s7;
	s7 =	simm.s32 @!p0 $0x108  }
0x21: {  	s3 =	sadd.s32 s3, s9;
	s6 =	sadd.s32 @!p0 $0x88, s6;
	s7 =	simm.s32 @p2 $0x1082  }
0x22: {  	[simem:s7], [sflag:s8] =	dma.local @!p0 [hbm:s6], $0xF7A  }
0x23: {  	s9 =	sor.u32 $0xD0000000, s2;
	s6 =	simm.s32 $0x108;
	_ =	swait.ge @!p0 [sflag:s8], $0x0  }
0x24: {  	s3 =	sadd.s32 $0x88, s3;
	s6 =	simm.s32 @!p1 $0x1082;
	[sflag:s4] =	ssyncset.s32 $0xFFFFF086  }
0x25: {  	[simem:s6], [sflag:s4] =	dma.local [hbm:s3], $0xF7A  }
0x26: {  	[smem:$0x3F9F] =	sst s1;
	(tag) =	ssettag s2;
	_ =	strace s9  }
0x27: {  	s1 =	sld [smem:$0x3FAF]  }
0x28: {  	s2 =	sld [smem:$0x3FB0]  }
0x29: {  	s4 =	sld [smem:$0x3FB2]  }
0x2a: {  	p0 =	seq.s32 s5, $0x0;
	s5 =	sld [smem:$0x3FB3]  }
0x2b: {  	s6 =	sld [smem:$0x3FB4]  }
0x2c: {  	s7 =	sld [smem:$0x3FB5]  }
0x2d: {  	s3 =	simm.s32 $0x108;
	s8 =	sld [smem:$0x3FB6]  }
0x2e: {  	s3 =	simm.s32 @!p0 $0x1082;
	s9 =	sld [smem:$0x3FB7]  }
0x2f: {  	lr =	sadd.s32 s0, s3;
	s0 =	sld [smem:$0x3FAE]  }
0x30: {  	s3 =	sld [smem:$0x3FB1]  }
0x31: {  	[smem:$0x3FBA] =	sst s10  }
0x32: {  	s10 =	sld [smem:$0x3FB8];
	_ =	sdelay $0x3  }
0x33: {  	p0 =	seq.s32 s10, $0x1;
	s10 =	sld [smem:$0x3FBA];
	_ =	sdelay $0x3  }
0x34: {  	[smem:$0x3FBA] =	sst s10  }
0x35: {  	s10 =	sld [smem:$0x3FB9];
	_ =	sdelay $0x3  }
0x36: {  	p1 =	seq.s32 s10, $0x1;
	s10 =	sld [smem:$0x3FBA];
	_ =	sdelay $0x3  }
0x37: {  	[smem:$0x3FBA] =	sst s10  }
0x38: {  	s10 =	sld [smem:$0x3FBB]  }
0x39: {  	_ = 	snop;
	(pc) =	sbr.ind lr, $3  }
0x3a: {  	_ = 	snop  }
0x3b: {  	_ = 	snop  }
0x3c: {  	p2 =	seq.s32 s10, $0x1;
	s10 =	sld [smem:$0x3FBA]  }
0x3d: {  	_ =	shalt  }
0x3e: {  	_ =	shalt  }
0x3f: {  	_ =	shalt  }
0x40: {  	_ =	shalt  }
0x41: {  	_ =	shalt  }
0x42: {  	_ =	shalt  }
0x43: {  	_ =	shalt  }
0x44: {  	_ =	shalt  }
0x45: {  	_ =	shalt  }
0x46: {  	_ =	shalt  }
0x47: {  	_ =	shalt  }
0x48: {  	_ =	shalt  }
0x49: {  	_ =	shalt  }
0x4a: {  	_ =	shalt  }
0x4b: {  	_ =	shalt  }
0x4c: {  	_ =	shalt  }
0x4d: {  	_ =	shalt  }
0x4e: {  	_ =	shalt  }
0x4f: {  	_ =	shalt  }
0x50: {  	_ =	shalt  }
0x51: {  	_ =	shalt  }
0x52: {  	_ =	shalt  }
0x53: {  	_ =	shalt  }
0x54: {  	_ =	shalt  }
0x55: {  	_ =	shalt  }
0x56: {  	_ =	shalt  }
0x57: {  	_ =	shalt  }
0x58: {  	_ =	shalt  }
0x59: {  	_ =	shalt  }
0x5a: {  	_ =	shalt  }
0x5b: {  	_ =	shalt  }
0x5c: {  	_ =	shalt  }
0x5d: {  	_ =	shalt  }
0x5e: {  	_ =	shalt  }
0x5f: {  	_ =	shalt  }
0x60: {  	_ =	shalt  }
0x61: {  	_ =	shalt  }
0x62: {  	_ =	shalt  }
0x63: {  	_ =	shalt  }
0x64: {  	_ =	shalt  }
0x65: {  	_ =	shalt  }
0x66: {  	_ =	shalt  }
0x67: {  	_ =	shalt  }
0x68: {  	_ =	shalt  }
0x69: {  	_ =	shalt  }
0x6a: {  	_ =	shalt  }
0x6b: {  	_ =	shalt  }
0x6c: {  	_ =	shalt  }
0x6d: {  	_ =	shalt  }
0x6e: {  	_ =	shalt  }
0x6f: {  	_ =	shalt  }
0x70: {  	_ =	shalt  }
0x71: {  	_ =	shalt  }
0x72: {  	_ =	shalt  }
0x73: {  	_ =	shalt  }
0x74: {  	_ =	shalt  }
0x75: {  	_ =	shalt  }
0x76: {  	_ =	shalt  }
0x77: {  	_ =	shalt  }
0x78: {  	_ =	shalt  }
0x79: {  	_ =	shalt  }
0x7a: {  	_ =	shalt  }
0x7b: {  	_ =	shalt  }
0x7c: {  	_ =	shalt  }
0x7d: {  	_ =	shalt  }
0x7e: {  	_ =	shalt  }
0x7f: {  	_ =	shalt  }
0x80: {  	_ =	shalt  }
0x81: {  	_ =	shalt  }
0x82: {  	_ =	shalt  }
0x83: {  	_ =	shalt  }
0x84: {  	_ =	shalt  }
0x85: {  	_ =	shalt  }
0x86: {  	_ =	shalt  }
0x87: {  	_ =	shalt  }
.Lfunc_end0:
.L_simem_size_0:
called_computation.1_lowered:
.L_overlay_start_0:
0x88: {  	s2 =	sld [smem:$0x3FD9]  }
0x89: {  	s3 =	sld [smem:$0x3FFE];
	_ =	sdelay $0x1  }
0x8a: {  	s1 =	srdreg.scid  }
0x8b: {  	s0 =	sand.u32 $0x1, s1  }
0x8c: {  	s17 =	sshll.u32 s0, $0xA;
	s2 =	sadd.s32 s3, s2  }
0x8d: {  	s2 =	sadd.s32 s2, s17  }
0x8e: {  	[smem:$0x3FC6] =	sst s2  }
0x8f: {  	_ = 	snop  }
0x90: {  	s2 =	sld [smem:$0x3FD0];
	(tm) =	ssettm $0x1  }
0x91: {  	s18 =	sld [smem:$0x3FFB];
	_ =	sdelay $0x3  }
0x92: {  	_ =	strace s18  }
0x93: {  	s3 =	sld [smem:$0x3FFC];
	_ =	sdelay $0x3  }
0x94: {  	_ =	strace s3  }
0x95: {  	s3 =	sld [smem:$0x3FFD];
	_ =	sdelay $0x3  }
0x96: {  	_ =	strace s3  }
0x97: {  	_ =	strace $0x8FFFFFFF  }
0x98: {  	s19 =	sld [smem:$0x3FDB];
	_ =	sdelay $0x1  }
0x99: {  	s4 =	simm.s32 $_scs_section_size  }
0x9a: {  	s5 =	simm.s32 $_size__tile_overlayer_lowered;
	s6 =	simm.s32 $_tile_overlayer_lowered  }
0x9b: {  	s22 =	simm.s32 $0x1BFF;
	s21 =	sshll.u32 s6, $0x1;
	s3 =	sadd.s32 s4, s19  }
0x9c: {  	s7 =	simm.s32 $0x0;
	s20 =	sshll.u32 s5, $0x1;
	s5 =	sadd.s32 s21, s3  }
0x9d: {  	[timem:s7], [sflag:s22] =	dma.local [hbm:s5], s20  }
0x9e: {  	_ =	swait.ge [sflag:s22], s20  }
0x9f: {  	s4 =	ssub.s32 $0x0, s20;
	[sflag:s22] =	ssyncset.done $0x0  }
0xa0: {  	[sflag:s22] =	ssyncadd.s32 s4;
	_ =	sdelay $0x1  }
0xa1: {  	s23 =	simm.s32 $0x1B8B  }
0xa2: {  	_ =	swait.ge [sflag:s23], $0x1  }
0xa3: {  	[sflag:s23] =	ssyncset.done $0x0  }
0xa4: {  	s25 =	simm.s32 $0x1B8E;
	s24 =	sld [smem:$0x3FFE];
	[sflag:s23] =	ssyncadd.s32 $0xFFFFFFFF  }
0xa5: {  	s26 =	simm.s32 $execute0_lowered;
	[smem:$0x3FD2] =	sst s25  }
0xa6: {  	s5 =	sshll.u32 s26, $0x1;
	_ =	strace $0x80000046;
	[dreg:$0x1] =	wrdreg $0xFFFFFFFF  }
0xa7: {  	s28 =	simm.s32 $_size_execute0_lowered;
	s3 =	sadd.s32 s3, s5;
	[dreg:$0x0] =	wrdreg $0x0  }
0xa8: {  	s5 =	sshll.u32 s28, $0x1;
	[dreg:$0x2] =	wrdreg s3  }
0xa9: {  	[dreg:$0x3] =	wrdreg s5  }
0xaa: {  	[dreg:$0x4] =	wrdreg $0xC0  }
0xab: {  	_ =	task [dreg:s7], $0x5FFFF  }
0xac: {  	[dreg:$0x1] =	wrdreg $0xFFFFFFFF  }
0xad: {  	[dreg:$0x0] =	wrdreg $0x60  }
0xae: {  	[dreg:$0x2] =	wrdreg s24  }
0xaf: {  	[dreg:$0x3] =	wrdreg s2  }
0xb0: {  	[dreg:$0x4] =	wrdreg $0x9  }
0xb1: {  	_ =	task.clear_ibuf [dreg:s7], $0x5FFFF;
	_ =	strace $0x90000046  }
0xb2: {  	s29 =	simm.s32 $0x9;
	_ =	strace $0x80000048  }
0xb3: {  	_ =	swait.ge [sflag:s29], $0x1  }
0xb4: {  	[sflag:s29] =	ssyncadd.s32 $0xFFFFFFFF  }
0xb5: {  	_ =	strace $0x90000048  }
0xb6: {  	_ =	sfence  }
0xb7: {  	s30 =	sld [smem:$0x0];
	_ =	sdelay $0x2  }
0xb8: {  	s31 =	sshll.u32 s1, $0xD;
	s1 =	sshrl.u32 s1, $0x2  }
0xb9: {  	s3 =	sand.u32 $0x4000, s31;
	s1 =	sadd.s32 s1, s30  }
0xba: {  	s0 =	sor.u32 s3, s0;
	s1 =	sshll.u32 s1, $0x11  }
0xbb: {  	s0 =	sor.u32 s1, s0  }
0xbc: {  	s0 =	sadd.s32 $0x8F2B, s0  }
0xbd: {  	[sflag:s0] =	ssyncadd.remote.s32 $0x1  }
0xbe: {  	_ =	sfence.sel $0xFFFF  }
0xbf: {  	[dreg:$0x0] =	wrdreg $0xFFFFFFFF;
	(pc) =	sbr.abs _section_cstart, $3  }
0xc0: {  	[dreg:$0x1] =	wrdreg $0xFFFFFFFF  }
0xc1: {  	_ =	task.clear_ibuf [dreg:s7], $0x2FFFF;
	_ =	strace $0x9FFFFFFF  }
0xc2: {  	(tm) =	ssettm $0x7FFFFFFF  }
0xc3: {  	_ =	shalt  }
tec
execute0_lowered:
.L_overlay_start_1:
0x0: {  	(tag) =	ssettag $0x1  }
0x1: {  	s0 =	srdreg.scid;
	s10 =	stileid.u32  }
0x2: {  	s1 =	rddreg [dreg:$0x0];
	s5 =	sand.u32 $0x1, s0;
	s2 =	sshll.u32 s10, $0x1  }
0x3: {  	s0 =	rddreg [dreg:$0x1];
	s3 =	sor.u32 s5, s2  }
0x4: {  	s2 =	simm.s32 $0x0;
	s7 =	ssub.s32 $0x2, s5;
	s4 =	smul.u32 $0xD00, s3  }
0x5: {  	[smem:$0x7FF] =	sst s2;
	s6 =	smul.u32 $0x190000, s3;
	s3 =	sadd.s32 $0xF42E00, s1  }
0x6: {  	s17 =	sshrl.u32 s7, $0x1;
	_ =	strace $0x80000047;
	s4 =	sadd.s32 s4, s1  }
0x7: {  	s6 =	sshrl.u32 s6, $0x3;
	s1 =	ssub.s32 s7, s17;
	s4 =	sadd.s32 $0xA00, s4  }
0x8: {  	s1 =	smax.u32 s1, $0x1;
	[dreg:$0x12] =	wrdreg s4;
	s4 =	sadd.s32 s0, s6  }
0x9: {  	[smem:$0x7FD] =	sst s1;
	s6 =	sadd.s32 $0x30700, s4  }
0xa: {  	s18 =	sadd.s32 $0x30890, s4;
	[dreg:$0x13] =	wrdreg s6  }
0xb: {  	s20 =	sadd.s32 $0x30A20, s4;
	[dreg:$0x14] =	wrdreg s18  }
0xc: {  	s21 =	sadd.s32 $0x30BB0, s4;
	[dreg:$0x15] =	wrdreg s20  }
0xd: {  	s29 =	simm.s32 $0x9A00;
	s8 =	sadd.s32 $0x30D40, s4;
	[dreg:$0x16] =	wrdreg s21  }
0xe: {  	s31 =	simm.s32 $0xB300;
	s23 =	sadd.s32 $0x30ED0, s4;
	[dreg:$0x17] =	wrdreg s8  }
0xf: {  	s28 =	simm.s32 $0xE500;
	s24 =	sadd.s32 $0x31060, s4;
	[dreg:$0x18] =	wrdreg s23  }
0x10: {  	s30 =	simm.s32 $0x11700;
	s25 =	sadd.s32 $0x311F0, s4;
	[dreg:$0x19] =	wrdreg s24  }
0x11: {  	s19 =	smul.u32 $0x320000, s10;
	s26 =	sadd.s32 $0x31380, s4;
	[dreg:$0x1a] =	wrdreg s25  }
0x12: {  	s22 =	smul.u32 $0x190000, s5;
	s9 =	sadd.s32 $0x31510, s4;
	[dreg:$0x1b] =	wrdreg s26  }
0x13: {  	s5 =	smul.u32 $0x32000, s5;
	s11 =	sadd.s32 $0x316A0, s4;
	[dreg:$0x1c] =	wrdreg s9  }
0x14: {  	s1 =	simm.s32 $0xFE00;
	s13 =	sadd.s32 $0x31830, s4;
	[dreg:$0x1d] =	wrdreg s11  }
0x15: {  	s6 =	sadd.s32 s22, s19;
	[dreg:$0x1e] =	wrdreg s13;
	s9 =	sadd.s32 $0x319C0, s4  }
0x16: {  	s26 =	smul.u32 $0x64000, s10;
	s12 =	sor.u32 $0xBB80, s6;
	s14 =	sor.u32 $0xAF00, s6  }
0x17: {  	[dreg:$0x1f] =	wrdreg s9;
	s16 =	sor.u32 $0xA280, s6;
	s18 =	sor.u32 $0x9600, s6  }
0x18: {  	s19 =	sor.u32 $0x8980, s6;
	s23 =	sor.u32 $0x7D00, s6;
	s25 =	sor.u32 $0x7080, s6  }
0x19: {  	s11 =	sor.u32 $0x5780, s6;
	s9 =	simm.s32 $0x2;
	s7 =	sshrl.u32 s12, $0x3  }
0x1a: {  	s8 =	sshrl.u32 s14, $0x3;
	s17 =	sshrl.u32 s16, $0x3;
	s21 =	sshrl.u32 s19, $0x3  }
0x1b: {  	s24 =	sshrl.u32 s23, $0x3;
	s10 =	sadd.s32 s26, s0;
	s12 =	sadd.s32 $0x31B50, s4  }
0x1c: {  	s13 =	sshrl.u32 s11, $0x3;
	s26 =	sadd.s32 $0x31CE0, s4;
	s4 =	sadd.s32 $0x31E70, s4  }
0x1d: {  	s11 =	simm.s32 $0xF180;
	s7 =	sadd.s32 s7, s0;
	[smem:$0x7FA] =	sst s12  }
0x1e: {  	s15 =	sadd.s32 s8, s0;
	s8 =	sshrl.u32 s18, $0x3;
	[smem:$0x7FB] =	sst s26  }
0x1f: {  	s22 =	sadd.s32 s21, s0;
	s5 =	sadd.s32 s5, s10;
	[smem:$0x7FC] =	sst s4  }
0x20: {  	s14 =	sadd.s32 s13, s0;
	s18 =	sor.u32 $0x3200, s6;
	[dreg:$0x3] =	wrdreg s7  }
0x21: {  	s26 =	simm.s32 $0x8100;
	s4 =	simm.s32 $0x7480;
	[dreg:$0x4] =	wrdreg s15  }
0x22: {  	s10 =	simm.s32 $0xD880;
	s12 =	simm.s32 $0x10A80;
	[dreg:$0x7] =	wrdreg s22  }
0x23: {  	s13 =	simm.s32 $0x12380;
	s7 =	sadd.s32 s17, s0;
	[dreg:$0xa] =	wrdreg s5  }
0x24: {  	s20 =	sadd.s32 s8, s0;
	s8 =	sshrl.u32 s25, $0x3;
	[dreg:$0xb] =	wrdreg s14  }
0x25: {  	s15 =	sor.u32 $0x4B00, s6;
	s17 =	sor.u32 $0x3E80, s6;
	[dreg:$0x5] =	wrdreg s7  }
0x26: {  	s22 =	sor.u32 $0x2580, s6;
	s14 =	simm.s32 $0x4;
	[dreg:$0x6] =	wrdreg s20  }
0x27: {  	s7 =	sadd.s32 s24, s0;
	s8 =	sadd.s32 s8, s0;
	s16 =	sshrl.u32 s15, $0x3  }
0x28: {  	s20 =	sshrl.u32 s18, $0x3;
	s23 =	sshrl.u32 s22, $0x3;
	[dreg:$0x8] =	wrdreg s7  }
0x29: {  	s24 =	sor.u32 $0x1900, s6;
	s6 =	sor.u32 $0xC80, s6;
	[dreg:$0x9] =	wrdreg s8  }
0x2a: {  	s5 =	sadd.s32 s16, s0;
	s7 =	sshrl.u32 s17, $0x3;
	s21 =	sadd.s32 s20, s0  }
0x2b: {  	s6 =	sshrl.u32 s6, $0x3;
	s8 =	simm.s32 $0x3;
	[dreg:$0xc] =	wrdreg s5  }
0x2c: {  	s16 =	simm.s32 $0x0;
	s19 =	sadd.s32 s7, s0;
	[dreg:$0xe] =	wrdreg s21  }
0x2d: {  	s5 =	sadd.s32 s23, s0;
	s7 =	sshrl.u32 s24, $0x3;
	[dreg:$0xd] =	wrdreg s19  }
0x2e: {  	s23 =	simm.s32 $0x64;
	s24 =	simm.s32 $0x6800;
	[dreg:$0xf] =	wrdreg s5  }
0x2f: {  	s25 =	sadd.s32 s7, s0;
	s0 =	sadd.s32 s6, s0;
	s5 =	simm.s32 $0x8D80  }
0x30: {  	s6 =	simm.s32 $0xA680;
	s7 =	simm.s32 $0xBF80;
	[dreg:$0x10] =	wrdreg s25  }
0x31: {  	[dreg:$0x11] =	wrdreg s0;
	s0 =	simm.s32 $0xCC00;
	s25 =	simm.s32 $0x1  }
.LBB2_1:
0x32: {  	[smem:$0x7F9] =	sst s16  }
0x33: {  	s15 =	rddreg [dreg:$0x12];
	s18 =	simm.s32 $0x5  }
0x34: {  	[tilespmem:s2], [sflag:$0x5] =	stream.linear.gather [hbm4b:s15+s2], $0x6800, $0x38;
	[tilespmem:$0x13000] =	vst v63  }
0x35: {  	_ =	swait.ge [sflag:s18], $0x6800  }
0x36: {  	[sflag:s18] =	ssyncset.done $0x0  }
0x37: {  	[sflag:s18] =	ssyncadd.s32 $0xFFFF9800  }
0x38: {  	[tilespmem:s24], [sflag:$0x1] =	stream.indirect.gather [hbm4b:s3+s23], $0x40, s2, s23, $0xb8;
	[tilespmem:$0x13000] =	vst v63  }
0x39: {  	s19 =	simm.s32 $0x68  }
0x3a: {  	[tilespmem:s26], [sflag:$0x1] =	stream.indirect.gather [hbm4b:s3+s23], $0x40, s19, s23, $0xb8;
	[tilespmem:$0x13000] =	vst v63  }
0x3b: {  	s20 =	simm.s32 $0xD0  }
0x3c: {  	[tilespmem:s29], [sflag:$0x1] =	stream.indirect.gather [hbm4b:s3+s23], $0x40, s20, s23, $0xb8;
	[tilespmem:$0x13000] =	vst v63  }
0x3d: {  	s21 =	simm.s32 $0x138  }
0x3e: {  	[tilespmem:s31], [sflag:$0x1] =	stream.indirect.gather [hbm4b:s3+s23], $0x40, s21, s23, $0xb8;
	[tilespmem:$0x13000] =	vst v63  }
0x3f: {  	s22 =	simm.s32 $0x1A0  }
0x40: {  	[tilespmem:s0], [sflag:$0x2] =	stream.indirect.gather [hbm4b:s3+s23], $0x40, s22, s23, $0xb8;
	[tilespmem:$0x13000] =	vst v63  }
0x41: {  	s16 =	simm.s32 $0x208  }
0x42: {  	[tilespmem:s28], [sflag:$0x2] =	stream.indirect.gather [hbm4b:s3+s23], $0x40, s16, s23, $0xb8;
	[tilespmem:$0x13000] =	vst v63  }
0x43: {  	s17 =	simm.s32 $0x270  }
0x44: {  	[tilespmem:s1], [sflag:$0x2] =	stream.indirect.gather [hbm4b:s3+s23], $0x40, s17, s23, $0xb8;
	[tilespmem:$0x13000] =	vst v63  }
0x45: {  	s18 =	simm.s32 $0x2D8  }
0x46: {  	[tilespmem:s30], [sflag:$0x2] =	stream.indirect.gather [hbm4b:s3+s23], $0x40, s18, s23, $0xb8;
	[tilespmem:$0x13000] =	vst v63  }
0x47: {  	_ =	swait.ge [sflag:s25], $0x6400  }
0x48: {  	s19 =	rddreg [dreg:$0xa];
	[sflag:s25] =	ssyncset.done $0x0  }
0x49: {  	s17 =	rddreg [dreg:$0x11];
	[sflag:s25] =	ssyncadd.s32 $0xFFFF9C00;
	s16 =	sadd.s32 $0x0, s19  }
0x4a: {  	[hbm4b:s16+s2] =	stream.linear.scatter [tilespmem:s24], [sflag:$0x3], $0xC80, $0x38;
	[tilespmem:$0x13000] =	vst v63  }
0x4b: {  	s18 =	rddreg [dreg:$0x10];
	s17 =	sadd.s32 $0x0, s17  }
0x4c: {  	[hbm4b:s17+s2] =	stream.linear.scatter [tilespmem:s4], [sflag:$0x3], $0xC80, $0x38;
	[tilespmem:$0x13000] =	vst v63  }
0x4d: {  	s20 =	rddreg [dreg:$0xf];
	s18 =	sadd.s32 $0x0, s18  }
0x4e: {  	[hbm4b:s18+s2] =	stream.linear.scatter [tilespmem:s26], [sflag:$0x3], $0xC80, $0x38;
	[tilespmem:$0x13000] =	vst v63  }
0x4f: {  	s21 =	rddreg [dreg:$0xe];
	s17 =	sadd.s32 $0x0, s20  }
0x50: {  	[hbm4b:s17+s2] =	stream.linear.scatter [tilespmem:s5], [sflag:$0x3], $0xC80, $0x38;
	[tilespmem:$0x13000] =	vst v63  }
0x51: {  	s22 =	rddreg [dreg:$0xd];
	s18 =	sadd.s32 $0x0, s21  }
0x52: {  	[hbm4b:s18+s2] =	stream.linear.scatter [tilespmem:s29], [sflag:$0x3], $0xC80, $0x38;
	[tilespmem:$0x13000] =	vst v63  }
0x53: {  	s15 =	rddreg [dreg:$0xc];
	s17 =	sadd.s32 $0x0, s22  }
0x54: {  	[hbm4b:s17+s2] =	stream.linear.scatter [tilespmem:s6], [sflag:$0x3], $0xC80, $0x38;
	[tilespmem:$0x13000] =	vst v63  }
0x55: {  	s19 =	rddreg [dreg:$0xb];
	s18 =	sadd.s32 $0x0, s15  }
0x56: {  	[hbm4b:s18+s2] =	stream.linear.scatter [tilespmem:s31], [sflag:$0x3], $0xC80, $0x38;
	[tilespmem:$0x13000] =	vst v63  }
0x57: {  	s17 =	sadd.s32 $0x0, s19  }
0x58: {  	[hbm4b:s17+s2] =	stream.linear.scatter [tilespmem:s7], [sflag:$0x3], $0xC80, $0x38;
	[tilespmem:$0x13000] =	vst v63  }
0x59: {  	_ =	swait.ge [sflag:s8], $0x6400  }
0x5a: {  	[sflag:s8] =	ssyncset.done $0x0  }
0x5b: {  	s20 =	simm.s32 $0x340;
	[sflag:s8] =	ssyncadd.s32 $0xFFFF9C00  }
0x5c: {  	[tilespmem:s24], [sflag:$0x1] =	stream.indirect.gather [hbm4b:s3+s23], $0x40, s20, s23, $0xb8;
	[tilespmem:$0x13000] =	vst v63  }
0x5d: {  	s21 =	simm.s32 $0x3A8  }
0x5e: {  	[tilespmem:s26], [sflag:$0x1] =	stream.indirect.gather [hbm4b:s3+s23], $0x40, s21, s23, $0xb8;
	[tilespmem:$0x13000] =	vst v63  }
0x5f: {  	s22 =	simm.s32 $0x410  }
0x60: {  	[tilespmem:s29], [sflag:$0x1] =	stream.indirect.gather [hbm4b:s3+s23], $0x40, s22, s23, $0xb8;
	[tilespmem:$0x13000] =	vst v63  }
0x61: {  	s15 =	simm.s32 $0x478  }
0x62: {  	[tilespmem:s31], [sflag:$0x1] =	stream.indirect.gather [hbm4b:s3+s23], $0x40, s15, s23, $0xb8;
	[tilespmem:$0x13000] =	vst v63  }
0x63: {  	_ =	swait.ge [sflag:s9], $0x6400  }
0x64: {  	[sflag:s9] =	ssyncset.done $0x0  }
0x65: {  	s16 =	sadd.s32 $0xC80, s16;
	s18 =	rddreg [dreg:$0x9];
	[sflag:s9] =	ssyncadd.s32 $0xFFFF9C00  }
0x66: {  	[hbm4b:s16+s2] =	stream.linear.scatter [tilespmem:s0], [sflag:$0x4], $0xC80, $0x38;
	[tilespmem:$0x13000] =	vst v63  }
0x67: {  	s19 =	rddreg [dreg:$0x8];
	s20 =	sadd.s32 $0x0, s18  }
0x68: {  	[hbm4b:s20+s2] =	stream.linear.scatter [tilespmem:s10], [sflag:$0x4], $0xC80, $0x38;
	[tilespmem:$0x13000] =	vst v63  }
0x69: {  	s21 =	rddreg [dreg:$0x7];
	s22 =	sadd.s32 $0x0, s19  }
0x6a: {  	[hbm4b:s22+s2] =	stream.linear.scatter [tilespmem:s28], [sflag:$0x4], $0xC80, $0x38;
	[tilespmem:$0x13000] =	vst v63  }
0x6b: {  	s15 =	rddreg [dreg:$0x6];
	s17 =	sadd.s32 $0x0, s21  }
0x6c: {  	[hbm4b:s17+s2] =	stream.linear.scatter [tilespmem:s11], [sflag:$0x4], $0xC80, $0x38;
	[tilespmem:$0x13000] =	vst v63  }
0x6d: {  	s19 =	rddreg [dreg:$0x5];
	s20 =	sadd.s32 $0x0, s15  }
0x6e: {  	[hbm4b:s20+s2] =	stream.linear.scatter [tilespmem:s1], [sflag:$0x4], $0xC80, $0x38;
	[tilespmem:$0x13000] =	vst v63  }
0x6f: {  	s21 =	rddreg [dreg:$0x4];
	s22 =	sadd.s32 $0x0, s19  }
0x70: {  	[hbm4b:s22+s2] =	stream.linear.scatter [tilespmem:s12], [sflag:$0x4], $0xC80, $0x38;
	[tilespmem:$0x13000] =	vst v63  }
0x71: {  	s18 =	sadd.s32 $0x0, s21;
	s15 =	rddreg [dreg:$0x3]  }
0x72: {  	[hbm4b:s18+s2] =	stream.linear.scatter [tilespmem:s30], [sflag:$0x4], $0xC80, $0x38;
	[tilespmem:$0x13000] =	vst v63  }
0x73: {  	s19 =	sadd.s32 $0x0, s15  }
0x74: {  	[hbm4b:s19+s2] =	stream.linear.scatter [tilespmem:s13], [sflag:$0x4], $0xC80, $0x38;
	[tilespmem:$0x13000] =	vst v63  }
0x75: {  	_ =	swait.ge [sflag:s14], $0x6400  }
0x76: {  	[sflag:s14] =	ssyncset.done $0x0  }
0x77: {  	s20 =	simm.s32 $0x4E0;
	[sflag:s14] =	ssyncadd.s32 $0xFFFF9C00  }
0x78: {  	[tilespmem:s0], [sflag:$0x2] =	stream.indirect.gather [hbm4b:s3+s23], $0x40, s20, s23, $0xb8;
	[tilespmem:$0x13000] =	vst v63  }
0x79: {  	s21 =	simm.s32 $0x548;
	s16 =	simm.s32 $0x618  }
0x7a: {  	[tilespmem:s28], [sflag:$0x2] =	stream.indirect.gather [hbm4b:s3+s23], $0x40, s21, s23, $0xb8;
	[tilespmem:$0x13000] =	vst v63  }
0x7b: {  	s17 =	simm.s32 $0x1900;
	s22 =	simm.s32 $0x5B0;
	s18 =	simm.s32 $0x958  }
0x7c: {  	[tilespmem:s1], [sflag:$0x2] =	stream.indirect.gather [hbm4b:s3+s23], $0x40, s22, s23, $0xb8;
	[tilespmem:$0x13000] =	vst v63  }
.LBB2_2:
0x7d: {  	[tilespmem:s30], [sflag:$0x2] =	stream.indirect.gather [hbm4b:s3+s23], $0x40, s16, s23, $0xb8;
	[tilespmem:$0x13000] =	vst v63  }
0x7e: {  	_ =	swait.ge [sflag:s25], $0x6400  }
0x7f: {  	s19 =	smov.u32 s17;
	s20 =	rddreg [dreg:$0xa];
	[sflag:s25] =	ssyncset.done $0x0  }
0x80: {  	s21 =	rddreg [dreg:$0x11];
	[sflag:s25] =	ssyncadd.s32 $0xFFFF9C00;
	s20 =	sadd.s32 s19, s20  }
0x81: {  	[hbm4b:s20+s2] =	stream.linear.scatter [tilespmem:s24], [sflag:$0x3], $0xC80, $0x38;
	[tilespmem:$0x13000] =	vst v63  }
0x82: {  	s22 =	rddreg [dreg:$0x10];
	s21 =	sadd.s32 s19, s21  }
0x83: {  	[hbm4b:s21+s2] =	stream.linear.scatter [tilespmem:s4], [sflag:$0x3], $0xC80, $0x38;
	[tilespmem:$0x13000] =	vst v63  }
0x84: {  	s15 =	rddreg [dreg:$0xf];
	s21 =	sadd.s32 s19, s22  }
0x85: {  	[hbm4b:s21+s2] =	stream.linear.scatter [tilespmem:s26], [sflag:$0x3], $0xC80, $0x38;
	[tilespmem:$0x13000] =	vst v63  }
0x86: {  	s15 =	sadd.s32 s19, s15;
	s22 =	rddreg [dreg:$0xe]  }
0x87: {  	[hbm4b:s15+s2] =	stream.linear.scatter [tilespmem:s5], [sflag:$0x3], $0xC80, $0x38;
	[tilespmem:$0x13000] =	vst v63  }
0x88: {  	s21 =	rddreg [dreg:$0xd];
	s15 =	sadd.s32 s19, s22  }
0x89: {  	[hbm4b:s15+s2] =	stream.linear.scatter [tilespmem:s29], [sflag:$0x3], $0xC80, $0x38;
	[tilespmem:$0x13000] =	vst v63  }
0x8a: {  	s22 =	rddreg [dreg:$0xc];
	s15 =	sadd.s32 s19, s21  }
0x8b: {  	[hbm4b:s15+s2] =	stream.linear.scatter [tilespmem:s6], [sflag:$0x3], $0xC80, $0x38;
	[tilespmem:$0x13000] =	vst v63  }
0x8c: {  	s22 =	sadd.s32 s19, s22;
	s21 =	rddreg [dreg:$0xb]  }
0x8d: {  	[hbm4b:s22+s2] =	stream.linear.scatter [tilespmem:s31], [sflag:$0x3], $0xC80, $0x38;
	[tilespmem:$0x13000] =	vst v63  }
0x8e: {  	s22 =	sadd.s32 s19, s21  }
0x8f: {  	[hbm4b:s22+s2] =	stream.linear.scatter [tilespmem:s7], [sflag:$0x3], $0xC80, $0x38;
	[tilespmem:$0x13000] =	vst v63  }
0x90: {  	_ =	swait.ge [sflag:s8], $0x6400  }
0x91: {  	[sflag:s8] =	ssyncset.done $0x0  }
0x92: {  	s21 =	sadd.s32 $0xFFFFFD28, s18;
	[sflag:s8] =	ssyncadd.s32 $0xFFFF9C00  }
0x93: {  	[tilespmem:s24], [sflag:$0x1] =	stream.indirect.gather [hbm4b:s3+s23], $0x40, s21, s23, $0xb8;
	[tilespmem:$0x13000] =	vst v63  }
0x94: {  	s22 =	sadd.s32 $0xFFFFFD90, s18  }
0x95: {  	[tilespmem:s26], [sflag:$0x1] =	stream.indirect.gather [hbm4b:s3+s23], $0x40, s22, s23, $0xb8;
	[tilespmem:$0x13000] =	vst v63  }
0x96: {  	s21 =	sadd.s32 $0xFFFFFDF8, s18  }
0x97: {  	[tilespmem:s29], [sflag:$0x1] =	stream.indirect.gather [hbm4b:s3+s23], $0x40, s21, s23, $0xb8;
	[tilespmem:$0x13000] =	vst v63  }
0x98: {  	s22 =	sadd.s32 $0xFFFFFE60, s18  }
0x99: {  	[tilespmem:s31], [sflag:$0x1] =	stream.indirect.gather [hbm4b:s3+s23], $0x40, s22, s23, $0xb8;
	[tilespmem:$0x13000] =	vst v63  }
0x9a: {  	_ =	swait.ge [sflag:s9], $0x6400  }
0x9b: {  	[sflag:s9] =	ssyncset.done $0x0  }
0x9c: {  	s20 =	sadd.s32 $0xC80, s20;
	s21 =	rddreg [dreg:$0x9];
	[sflag:s9] =	ssyncadd.s32 $0xFFFF9C00  }
0x9d: {  	[hbm4b:s20+s2] =	stream.linear.scatter [tilespmem:s0], [sflag:$0x4], $0xC80, $0x38;
	[tilespmem:$0x13000] =	vst v63  }
0x9e: {  	s22 =	rddreg [dreg:$0x8];
	s15 =	sadd.s32 s19, s21  }
0x9f: {  	[hbm4b:s15+s2] =	stream.linear.scatter [tilespmem:s10], [sflag:$0x4], $0xC80, $0x38;
	[tilespmem:$0x13000] =	vst v63  }
0xa0: {  	s22 =	sadd.s32 s19, s22;
	s20 =	rddreg [dreg:$0x7]  }
0xa1: {  	[hbm4b:s22+s2] =	stream.linear.scatter [tilespmem:s28], [sflag:$0x4], $0xC80, $0x38;
	[tilespmem:$0x13000] =	vst v63  }
0xa2: {  	s21 =	rddreg [dreg:$0x6];
	s22 =	sadd.s32 s19, s20  }
0xa3: {  	[hbm4b:s22+s2] =	stream.linear.scatter [tilespmem:s11], [sflag:$0x4], $0xC80, $0x38;
	[tilespmem:$0x13000] =	vst v63  }
0xa4: {  	s20 =	rddreg [dreg:$0x5];
	s22 =	sadd.s32 s19, s21  }
0xa5: {  	[hbm4b:s22+s2] =	stream.linear.scatter [tilespmem:s1], [sflag:$0x4], $0xC80, $0x38;
	[tilespmem:$0x13000] =	vst v63  }
0xa6: {  	s21 =	rddreg [dreg:$0x4];
	s22 =	sadd.s32 s19, s20  }
0xa7: {  	[hbm4b:s22+s2] =	stream.linear.scatter [tilespmem:s12], [sflag:$0x4], $0xC80, $0x38;
	[tilespmem:$0x13000] =	vst v63  }
0xa8: {  	s20 =	rddreg [dreg:$0x3];
	s22 =	sadd.s32 s19, s21  }
0xa9: {  	[hbm4b:s22+s2] =	stream.linear.scatter [tilespmem:s30], [sflag:$0x4], $0xC80, $0x38;
	[tilespmem:$0x13000] =	vst v63  }
0xaa: {  	s19 =	sadd.s32 s19, s20  }
0xab: {  	[hbm4b:s19+s2] =	stream.linear.scatter [tilespmem:s13], [sflag:$0x4], $0xC80, $0x38;
	[tilespmem:$0x13000] =	vst v63  }
0xac: {  	_ =	swait.ge [sflag:s14], $0x6400  }
0xad: {  	[sflag:s14] =	ssyncset.done $0x0  }
0xae: {  	p0 =	sne.s32 s17, $0x2EE00;
	s20 =	sadd.s32 $0xFFFFFEC8, s18;
	[sflag:s14] =	ssyncadd.s32 $0xFFFF9C00  }
0xaf: {  	[tilespmem:s0], [sflag:$0x2] =	stream.indirect.gather [hbm4b:s3+s23], $0x40, s20, s23, $0xb8;
	[tilespmem:$0x13000] =	vst v63  }
.Ltmp0:
0xb0: {  	_ = 	snop;
	(pc) =	sbr.rel @p0 .LBB2_2-.Ltmp0, $4  }
0xb1: {  	s16 =	smov.u32 s18;
	s21 =	sadd.s32 $0xFFFFFF30, s18  }
0xb2: {  	[tilespmem:s28], [sflag:$0x2] =	stream.indirect.gather [hbm4b:s3+s23], $0x40, s21, s23, $0xb8;
	[tilespmem:$0x13000] =	vst v63  }
0xb3: {  	s17 =	sadd.s32 $0x1900, s17;
	s22 =	sadd.s32 $0xFFFFFF98, s18;
	s18 =	sadd.s32 $0x340, s18  }
0xb4: {  	[tilespmem:s1], [sflag:$0x2] =	stream.indirect.gather [hbm4b:s3+s23], $0x40, s22, s23, $0xb8;
	[tilespmem:$0x13000] =	vst v63  }
0xb5: {  	[tilespmem:s30], [sflag:$0x2] =	stream.indirect.gather [hbm4b:s3+s23], $0x40, s16, s23, $0xb8;
	[tilespmem:$0x13000] =	vst v63  }
0xb6: {  	_ =	swait.ge [sflag:s25], $0x6400  }
0xb7: {  	[sflag:s25] =	ssyncset.done $0x0  }
0xb8: {  	s15 =	rddreg [dreg:$0x13];
	[sflag:s25] =	ssyncadd.s32 $0xFFFF9C00  }
0xb9: {  	[hbm4b:s15+s2] =	stream.linear.scatter [tilespmem:s24], [sflag:$0x3], $0xC80, $0x38;
	[tilespmem:$0x13000] =	vst v63  }
0xba: {  	s20 =	rddreg [dreg:$0x14]  }
0xbb: {  	[hbm4b:s20+s2] =	stream.linear.scatter [tilespmem:s4], [sflag:$0x3], $0xC80, $0x38;
	[tilespmem:$0x13000] =	vst v63  }
0xbc: {  	s21 =	rddreg [dreg:$0x15]  }
0xbd: {  	[hbm4b:s21+s2] =	stream.linear.scatter [tilespmem:s26], [sflag:$0x3], $0xC80, $0x38;
	[tilespmem:$0x13000] =	vst v63  }
0xbe: {  	s22 =	rddreg [dreg:$0x16]  }
0xbf: {  	[hbm4b:s22+s2] =	stream.linear.scatter [tilespmem:s5], [sflag:$0x3], $0xC80, $0x38;
	[tilespmem:$0x13000] =	vst v63  }
0xc0: {  	s16 =	rddreg [dreg:$0x17]  }
0xc1: {  	[hbm4b:s16+s2] =	stream.linear.scatter [tilespmem:s29], [sflag:$0x3], $0xC80, $0x38;
	[tilespmem:$0x13000] =	vst v63  }
0xc2: {  	s17 =	rddreg [dreg:$0x18]  }
0xc3: {  	[hbm4b:s17+s2] =	stream.linear.scatter [tilespmem:s6], [sflag:$0x3], $0xC80, $0x38;
	[tilespmem:$0x13000] =	vst v63  }
0xc4: {  	s18 =	rddreg [dreg:$0x19]  }
0xc5: {  	[hbm4b:s18+s2] =	stream.linear.scatter [tilespmem:s31], [sflag:$0x3], $0xC80, $0x38;
	[tilespmem:$0x13000] =	vst v63  }
0xc6: {  	s19 =	rddreg [dreg:$0x1a]  }
0xc7: {  	[hbm4b:s19+s2] =	stream.linear.scatter [tilespmem:s7], [sflag:$0x3], $0xC80, $0x38;
	[tilespmem:$0x13000] =	vst v63  }
0xc8: {  	_ =	swait.ge [sflag:s8], $0x6400  }
0xc9: {  	[sflag:s8] =	ssyncset.done $0x0  }
0xca: {  	[sflag:s8] =	ssyncadd.s32 $0xFFFF9C00  }
0xcb: {  	_ =	swait.ge [sflag:s9], $0x6400  }
0xcc: {  	[sflag:s9] =	ssyncset.done $0x0;
	s20 =	rddreg [dreg:$0x1b]  }
0xcd: {  	s21 =	rddreg [dreg:$0x1c];
	[sflag:s9] =	ssyncadd.s32 $0xFFFF9C00  }
0xce: {  	[hbm4b:s20+s2] =	stream.linear.scatter [tilespmem:s0], [sflag:$0x4], $0xC80, $0x38;
	[tilespmem:$0x13000] =	vst v63  }
0xcf: {  	s22 =	rddreg [dreg:$0x1d]  }
0xd0: {  	[hbm4b:s21+s2] =	stream.linear.scatter [tilespmem:s10], [sflag:$0x4], $0xC80, $0x38;
	[tilespmem:$0x13000] =	vst v63  }
0xd1: {  	s16 =	rddreg [dreg:$0x1e]  }
0xd2: {  	[hbm4b:s22+s2] =	stream.linear.scatter [tilespmem:s28], [sflag:$0x4], $0xC80, $0x38;
	[tilespmem:$0x13000] =	vst v63  }
0xd3: {  	s17 =	rddreg [dreg:$0x1f]  }
0xd4: {  	[hbm4b:s16+s2] =	stream.linear.scatter [tilespmem:s11], [sflag:$0x4], $0xC80, $0x38;
	[tilespmem:$0x13000] =	vst v63  }
0xd5: {  	s18 =	sld [smem:$0x7FA]  }
0xd6: {  	[hbm4b:s17+s2] =	stream.linear.scatter [tilespmem:s1], [sflag:$0x4], $0xC80, $0x38;
	[tilespmem:$0x13000] =	vst v63  }
0xd7: {  	s19 =	sld [smem:$0x7FB]  }
0xd8: {  	[hbm4b:s18+s2] =	stream.linear.scatter [tilespmem:s12], [sflag:$0x4], $0xC80, $0x38;
	[tilespmem:$0x13000] =	vst v63  }
0xd9: {  	s20 =	sld [smem:$0x7FC]  }
0xda: {  	[hbm4b:s19+s2] =	stream.linear.scatter [tilespmem:s30], [sflag:$0x4], $0xC80, $0x38;
	[tilespmem:$0x13000] =	vst v63  }
0xdb: {  	_ = 	snop  }
0xdc: {  	[hbm4b:s20+s2] =	stream.linear.scatter [tilespmem:s13], [sflag:$0x4], $0xC80, $0x38;
	[tilespmem:$0x13000] =	vst v63  }
0xdd: {  	_ =	swait.ge [sflag:s14], $0x6400  }
0xde: {  	s21 =	sld [smem:$0x7F9]  }
0xdf: {  	s22 =	sld [smem:$0x7FD];
	_ =	sdelay $0x1  }
0xe0: {  	s16 =	sadd.s32 $0x1, s21  }
0xe1: {  	p0 =	sne.s32 s16, s22  }
.Ltmp1:
0xe2: {  	_ = 	snop;
	(pc) =	sbr.rel @p0 .LBB2_1-.Ltmp1, $3  }
0xe3: {  	_ =	sdelay $0x1  }
0xe4: {  	[sflag:s14] =	ssyncset.done $0x0  }
0xe5: {  	[sflag:s14] =	ssyncadd.s32 $0xFFFF9C00  }
0xe6: {  	_ =	sfence.sel $0x180000  }
0xe7: {  	[bflag:$0x0] =	sbarrier.arrive $0xFFFF  }
0xe8: {  	_ =	strace $0x90000047  }
0xe9: {  	s0 =	stileid.u32;
	[bflag:$0x2] =	sbarrier.arrive $0xFFFF  }
0xea: {  	p0 =	sne.s32 s0, $0x0;
	s0 =	rddreg [dreg:$0x2]  }
0xeb: {  	s0 =	sadd.s32 @!p0 $0x100000, s0  }
0xec: {  	[sflag:s0] =	ssyncadd.tile.s32 @!p0 $0x1;
	_ =	shalt  }
.Lfunc_end2:
_tile_overlayer_lowered:
.L_overlay_start_2:
0xed: {  	(tag) =	ssettag $0x2  }
0xee: {  	s0 =	rddreg [dreg:$0x0];
	s2 =	stileid.u32  }
0xef: {  	s1 =	rddreg [dreg:$0x1];
	p0 =	sne.s32 s2, $0x0  }
0xf0: {  	s3 =	rddreg [dreg:$0x2];
	[bflag:$0x3] =	sbarrier.arrive $0xFFFF;
	s2 =	simm.s32 @!p0 $0x1C05  }
0xf1: {  	[timem:s3], [sflag:s2] =	dma.local @!p0 [hbm:s0], s1  }
0xf2: {  	s0 =	simm.s32 @!p0 $0x5  }
0xf3: {  	_ =	swait.ge @!p0 [sflag:s0], s1  }
0xf4: {  	s1 =	ssub.s32 @!p0 $0x0, s1;
	[sflag:s0] =	ssyncset.done @!p0 $0x0  }
0xf5: {  	[sflag:s0] =	ssyncadd.s32 @!p0 s1  }
0xf6: {  	[bflag:$0x3] =	sbarrier.arrive $0xFFFF  }
0xf7: {  	_ =	shalt  }

// kernel: sparse-core-data-format-call.cloned.1.call-start
scs
called_computation_lowered:
.L_overlay_start_0:
0x0: {  	s2 =	sld [smem:$0x3FD9]  }
0x1: {  	s3 =	sld [smem:$0x3FFE];
	_ =	sdelay $0x1  }
0x2: {  	s1 =	srdreg.scid  }
0x3: {  	s0 =	sand.u32 $0x1, s1  }
0x4: {  	s18 =	sshll.u32 s0, $0xA;
	s2 =	sadd.s32 s3, s2  }
0x5: {  	s2 =	sadd.s32 s2, s18  }
0x6: {  	[smem:$0x3FC6] =	sst s2  }
0x7: {  	_ = 	snop  }
0x8: {  	s2 =	sld [smem:$0x3FD0];
	(tm) =	ssettm $0x1  }
0x9: {  	s19 =	sld [smem:$0x3FFB];
	_ =	sdelay $0x3  }
0xa: {  	_ =	strace s19  }
0xb: {  	s3 =	sld [smem:$0x3FFC];
	_ =	sdelay $0x3  }
0xc: {  	_ =	strace s3  }
0xd: {  	s3 =	sld [smem:$0x3FFD];
	_ =	sdelay $0x3  }
0xe: {  	_ =	strace s3  }
0xf: {  	_ =	strace $0x8FFFFFFF  }
0x10: {  	s20 =	sld [smem:$0x3FDB];
	_ =	sdelay $0x1  }
0x11: {  	s4 =	simm.s32 $_scs_section_size  }
0x12: {  	s5 =	simm.s32 $_size__tile_overlayer_lowered;
	s6 =	simm.s32 $_tile_overlayer_lowered  }
0x13: {  	s23 =	simm.s32 $0x1BFF;
	s22 =	sshll.u32 s6, $0x1;
	s3 =	sadd.s32 s4, s20  }
0x14: {  	s7 =	simm.s32 $0x0;
	s21 =	sshll.u32 s5, $0x1;
	s5 =	sadd.s32 s22, s3  }
0x15: {  	[timem:s7], [sflag:s23] =	dma.local [hbm:s5], s21  }
0x16: {  	_ =	swait.ge [sflag:s23], s21  }
0x17: {  	s4 =	ssub.s32 $0x0, s21;
	[sflag:s23] =	ssyncset.done $0x0  }
0x18: {  	[sflag:s23] =	ssyncadd.s32 s4;
	_ =	sdelay $0x1  }
0x19: {  	s24 =	simm.s32 $0x1B8B  }
0x1a: {  	_ =	swait.ge [sflag:s24], $0x1  }
0x1b: {  	[sflag:s24] =	ssyncset.done $0x0  }
0x1c: {  	s26 =	simm.s32 $0x1B8E;
	s25 =	sld [smem:$0x3FFE];
	[sflag:s24] =	ssyncadd.s32 $0xFFFFFFFF  }
0x1d: {  	s27 =	simm.s32 $execute0_lowered;
	[smem:$0x3FD2] =	sst s26  }
0x1e: {  	s5 =	sshll.u32 s27, $0x1;
	_ =	strace $0x80000049;
	[dreg:$0x1] =	wrdreg $0xFFFFFFFF  }
0x1f: {  	s28 =	simm.s32 $_size_execute0_lowered;
	s3 =	sadd.s32 s3, s5;
	[dreg:$0x0] =	wrdreg $0x0  }
0x20: {  	s5 =	sshll.u32 s28, $0x1;
	[dreg:$0x2] =	wrdreg s3  }
0x21: {  	[dreg:$0x3] =	wrdreg s5  }
0x22: {  	[dreg:$0x4] =	wrdreg $0xC0  }
0x23: {  	_ =	task [dreg:s7], $0x5FFFF  }
0x24: {  	[dreg:$0x1] =	wrdreg $0xFFFFFFFF  }
0x25: {  	[dreg:$0x0] =	wrdreg $0x60  }
0x26: {  	[dreg:$0x2] =	wrdreg s25  }
0x27: {  	[dreg:$0x3] =	wrdreg s2  }
0x28: {  	[dreg:$0x4] =	wrdreg $0x9  }
0x29: {  	_ =	task.clear_ibuf [dreg:s7], $0x5FFFF;
	_ =	strace $0x90000049  }
0x2a: {  	s29 =	simm.s32 $0x9;
	_ =	strace $0x8000004B  }
0x2b: {  	_ =	swait.ge [sflag:s29], $0x1  }
0x2c: {  	[sflag:s29] =	ssyncadd.s32 $0xFFFFFFFF  }
0x2d: {  	_ =	strace $0x9000004B  }
0x2e: {  	_ =	sfence  }
0x2f: {  	s30 =	sld [smem:$0x0];
	_ =	sdelay $0x2  }
0x30: {  	s31 =	sshll.u32 s1, $0xD;
	s1 =	sshrl.u32 s1, $0x2  }
0x31: {  	s3 =	sand.u32 $0x4000, s31;
	s1 =	sadd.s32 s1, s30  }
0x32: {  	s0 =	sor.u32 s3, s0;
	s1 =	sshll.u32 s1, $0x11  }
0x33: {  	s0 =	sor.u32 s1, s0  }
0x34: {  	s0 =	sadd.s32 $0x8F2B, s0  }
0x35: {  	[sflag:s0] =	ssyncadd.remote.s32 $0x1  }
0x36: {  	_ =	sfence.sel $0xFFFF  }
0x37: {  	[dreg:$0x0] =	wrdreg $0xFFFFFFFF;
	(pc) =	sbr.abs _section_cstart, $3  }
0x38: {  	[dreg:$0x1] =	wrdreg $0xFFFFFFFF  }
0x39: {  	_ =	task.clear_ibuf [dreg:s7], $0x2FFFF;
	_ =	strace $0x9FFFFFFF  }
0x3a: {  	(tm) =	ssettm $0x7FFFFFFF  }
0x3b: {  	_ =	shalt  }
tec
execute0_lowered:
.L_overlay_start_1:
0x0: {  	(tag) =	ssettag $0x1  }
0x1: {  	s0 =	srdreg.scid  }
0x2: {  	s1 =	sshll.u32 s0, $0x4  }
0x3: {  	s0 =	stileid.u32;
	s1 =	sand.u32 $0x10, s1  }
0x4: {  	s1 =	sor.u32 s0, s1  }
0x5: {  	s6 =	rddreg [dreg:$0x0];
	s4 =	simm.s32 $0x1;
	s2 =	sshll.u32 s1, $0x7  }
0x6: {  	s7 =	simm.s32 $0x2;
	s12 =	simm.s32 $0x0;
	s1 =	ssub.s32 $0x4000, s2  }
0x7: {  	s8 =	simm.s32 $0x20000;
	s13 =	simm.s32 $0x0;
	s3 =	sand.u32 $0xF80, s1  }
0x8: {  	s9 =	simm.s32 $0x0;
	s5 =	sshrl.u32 s1, $0xC;
	p0 =	sne.s32 s3, $0x0  }
.Ltmp0:
0x9: {  	s1 =	rddreg [dreg:$0x2];
	s4 =	simm.s32 @!p0 $0x0;
	(pc) =	sbr.rel .LBB1_1-.Ltmp0, $4  }
0xa: {  	s11 =	simm.s32 $0x0;
	s3 =	rddreg [dreg:$0x1];
	s5 =	sadd.s32 s4, s5  }
0xb: {  	_ =	strace $0x8000004A;
	s4 =	simm.s32 $0x1;
	s5 =	smul.u32 $0x32, s5  }
0xc: {  	s6 =	sadd.s32 $0xA00, s6;
	s10 =	smov.u32 s2;
	[sflag:s4] =	ssyncpa.u1 $0x0  }
0xd: {  	p0 =	por $0x0, $0x0;
	[sflag:s7] =	ssyncpa.u1 $0x0;
	s7 =	sor.u32 $0x1, s5  }
.LBB1_4:
0xe: {  	s16 =	sshll.u32 s13, $0x3;
	s17 =	sand.u32 $0x78, s13  }
0xf: {  	s30 =	sand.u32 $0x1F800, s13;
	s12 =	sshll.u32 s12, $0x11;
	s16 =	sand.u32 $0x3C00, s16  }
0x10: {  	[tilespmem:s15+$0x810 ss:$0x81] =	vst.msk $0xffff, v2;
	s31 =	sand.u32 $0x7, s13;
	s16 =	sor.u32 s17, s16;
	s17 =	sadd.s32 s3, s30  }
0x11: {  	[tilespmem:s15+$0x1020 ss:$0x81] =	vst.msk $0xffff, v0;
	s13 =	sshll.u32 s31, $0x12;
	s12 =	sadd.s32 s12, s17;
	s16 =	sshrl.u32 s16, $0x3  }
0x12: {  	[tilespmem:s15+$0x0 ss:$0x81] =	vst.msk $0xffff, v1;
	s13 =	sor.u32 $0x400, s13;
	s12 =	sadd.s32 s16, s12  }
0x13: {  	[hbm4b:s12+s13] =	stream.strided.scatter [tilespmem:s14], [sflag:$0x2], $0x2000, s8, s13, $0x20;
	[tilespmem:$0x8080] =	vst v63  }
.LBB1_5:
0x14: {  	s14 =	sadd.s32 $0x1, s9  }
0x15: {  	s12 =	sadd.s32 $0x1000, s10;
	s16 =	smov.u32 s10;
	p2 =	sgt.s32 s14, $0x31  }
0x16: {  	s16 =	smov.u32 @p2 s12  }
0x17: {  	s14 =	simm.s32 @p2 $0x0;
	p2 =	sgt.s32 s16, $0x3FFF  }
0x18: {  	s16 =	smov.u32 @p2 s2;
	p2 =	sne.s32 s11, s7  }
.Ltmp1:
0x19: {  	p1 =	slt.u32 s11, $0x2;
	(pc) =	sbr.rel @!p2 .LBB1_6-.Ltmp1, $4  }
0x1a: {  	s15 =	simm.s32 @!p1 $0x2  }
0x1b: {  	s13 =	smov.u32 s10;
	p0 =	por !p0, !p0;
	_ =	swait.ge @!p1 [sflag:s15], $0x2000  }
0x1c: {  	s12 =	smov.u32 s9;
	[sflag:s15] =	ssyncset.done @!p1 $0x0;
	s9 =	smov.u32 s14  }
0x1d: {  	s11 =	sadd.s32 $0x1, s11;
	[sflag:s15] =	ssyncadd.s32 @!p1 $0xFFFFE000;
	s10 =	smov.u32 s16  }
.LBB1_1:
0x1e: {  	p1 =	sge.u32 s11, s5  }
0x1f: {  	s14 =	sand.u32 @!p1 $0x1FFFFFF, s9  }
0x20: {  	s15 =	smulhi.u32 @!p1 $0x4924925, s14;
	_ =	sdelay $0x1  }
0x21: {  	s15 =	smul.u32 @!p1 $0x38, s15  }
0x22: {  	s16 =	sxor.u32 @!p1 $0xFFFFFFFF, s11;
	s17 =	smul.u32 @!p1 $0x380, s10  }
0x23: {  	s31 =	sadd.s32 $0xFFFFFFFF, s11;
	s16 =	sshll.u32 @!p1 s16, $0xD;
	s14 =	ssub.s32 @!p1 s14, s15  }
0x24: {  	s15 =	sand.u32 @!p1 $0x2000, s16;
	s16 =	sadd.s32 @!p1 s6, s17;
	s14 =	sshll.u32 @!p1 s14, $0x4  }
0x25: {  	s17 =	simm.s32 @!p1 $0x1C00;
	s14 =	sadd.s32 @!p1 s14, s16;
	s16 =	simm.s32 @!p1 $0x40  }
0x26: {  	[tilespmem:s15], [sflag:$0x1] =	stream.strided.gather @!p1 [hbm4b:s14+s16], $0x2000, s17, s16, $0x38;
	[tilespmem:$0x8080] =	vst v63  }
0x27: {  	p1 =	sge.u32 s31, s5  }
.Ltmp2:
0x28: {  	_ = 	snop;
	(pc) =	sbr.rel @p1 .LBB1_5-.Ltmp2, $1  }
0x29: {  	_ =	sdelay $0x3  }
0x2a: {  	s14 =	simm.s32 $0x1  }
0x2b: {  	_ =	swait.ge [sflag:s4], $0x2000;
	s14 =	simm.s32 @!p0 $0x0  }
0x2c: {  	[sflag:s4] =	ssyncset.done $0x0;
	s15 =	sshll.u32 s14, $0xD  }
0x2d: {  	[sflag:s4] =	ssyncadd.s32 $0xFFFFE000;
	s18 =	sor.u32 $0x20, s15  }
0x2e: {  	s14 =	smul.u32 $0x8100, s14;
	v3 =	vld [tilespmem:s18+$0x10]  }
0x2f: {  	s30 =	sand.u32 $0x1, s11;
	v2 =	vld [tilespmem:s18+$0xFFFFFFF0]  }
0x30: {  	s15 =	smul.u32 $0x8100, s30;
	s14 =	sshrl.u32 s14, $0x2;
	v0 =	vld [tilespmem:s18+$0x0]  }
0x31: {  	v1 =	vld [tilespmem:s18+$0xFFFFFFE0];
	s16 =	sor.u32 $0x4000, s14  }
0x32: {  	s31 =	sshrl.u32 s15, $0x2;
	s15 =	sadd.s32 $0x0, s16  }
0x33: {  	s17 =	simm.s32 $0x4;
	s18 =	sadd.s32 $0x40, s18;
	s14 =	sor.u32 $0x4000, s31;
	[tilespmem:s15+$0x1830 ss:$0x81] =	vst.msk $0xffff, v3  }
.LBB1_3:
0x34: {  	v3 =	vld [tilespmem:s18+$0x10];
	p1 =	sne.s32 s17, $0x1FC;
	[tilespmem:s15+$0x810 ss:$0x81] =	vst.msk $0xffff, v2;
	s19 =	smov.u32 s17;
	s17 =	sadd.s32 $0x4, s17  }
.Ltmp3:
0x35: {  	v2 =	vld [tilespmem:s18+$0xFFFFFFF0];
	[tilespmem:s15+$0x1020 ss:$0x81] =	vst.msk $0xffff, v0;
	(pc) =	sbr.rel @p1 .LBB1_3-.Ltmp3, $4  }
0x36: {  	v0 =	vld [tilespmem:s18+$0x0];
	[tilespmem:s15+$0x0 ss:$0x81] =	vst.msk $0xffff, v1  }
0x37: {  	s15 =	sshra.s32 s19, $0x2;
	v1 =	vld [tilespmem:s18+$0xFFFFFFE0]  }
0x38: {  	s15 =	sadd.s32 s15, s16  }
0x39: {  	s18 =	sadd.s32 $0x40, s18;
	[tilespmem:s15+$0x1830 ss:$0x81] =	vst.msk $0xffff, v3  }
.Ltmp4:
0x3a: {  	_ = 	snop;
	(pc) =	sbr.rel .LBB1_4-.Ltmp4, $1  }
0x3b: {  	_ =	sdelay $0x3  }
.LBB1_6:
0x3c: {  	_ =	sfence.sel $0x180000  }
0x3d: {  	s2 =	simm.s32 $0x1;
	[bflag:$0x0] =	sbarrier.arrive $0xFFFF  }
0x3e: {  	s31 =	simm.s32 $0x2;
	[sflag:s2] =	ssyncpa.u1 $0x1  }
0x3f: {  	[sflag:s31] =	ssyncpa.u1 $0x1  }
0x40: {  	p0 =	sne.s32 s0, $0x0;
	_ =	strace $0x9000004A  }
0x41: {  	s0 =	sadd.s32 @!p0 $0x100000, s1;
	[bflag:$0x2] =	sbarrier.arrive $0xFFFF  }
0x42: {  	[sflag:s0] =	ssyncadd.tile.s32 @!p0 $0x1;
	_ =	shalt  }
.Lfunc_end1:
_tile_overlayer_lowered:
.L_overlay_start_2:
0x43: {  	(tag) =	ssettag $0x2  }
0x44: {  	s0 =	rddreg [dreg:$0x0];
	s2 =	stileid.u32  }
0x45: {  	s1 =	rddreg [dreg:$0x1];
	p0 =	sne.s32 s2, $0x0  }
0x46: {  	s3 =	rddreg [dreg:$0x2];
	[bflag:$0x3] =	sbarrier.arrive $0xFFFF;
	s2 =	simm.s32 @!p0 $0x1C01  }
0x47: {  	[timem:s3], [sflag:s2] =	dma.local @!p0 [hbm:s0], s1  }
0x48: {  	s0 =	simm.s32 @!p0 $0x1  }
0x49: {  	_ =	swait.ge @!p0 [sflag:s0], s1  }
0x4a: {  	s1 =	ssub.s32 @!p0 $0x0, s1;
	[sflag:s0] =	ssyncset.done @!p0 $0x0  }
0x4b: {  	[sflag:s0] =	ssyncadd.s32 @!p0 s1  }
0x4c: {  	[bflag:$0x3] =	sbarrier.arrive $0xFFFF  }
0x4d: {  	_ =	shalt  }

</sc_bundles>
